<compile_context>
chip_gen: v7x
topology: tpu7x:2x2x1
jax: 0.10.2.dev20260603
libtpu: 0.0.44.dev20260713+nightly
codegen_flags: <defaults>
</compile_context>

<pallas_src>
import functools

import jax
import jax.numpy as jnp
from jax import lax
from jax.experimental import pallas as pl
from jax.experimental.pallas import tpu as pltpu
from jax.experimental.pallas import tpu_sc as plsc

NC = 2
NS = 16
NW = NC * NS
K = 80


def _sc_mesh():
    return plsc.VectorSubcoreMesh(core_axis_name="c", subcore_axis_name="s")


def _sc_degree(dst3d, ones, zeros, npad):
    bpw = dst3d.shape[1]
    rps = npad // NS

    @functools.partial(
        pl.kernel,
        out_type=jax.ShapeDtypeStruct((NC, npad, 128), jnp.float32),
        mesh=_sc_mesh(),
        scratch_types=[
            pltpu.VMEM((bpw, K), jnp.int32),
            pltpu.VMEM((K, 128), jnp.float32),
            pltpu.VMEM_SHARED((npad, 128), jnp.float32),
            pltpu.SemaphoreType.DMA,
        ],
    )
    def k(dst_hbm, ones_hbm, zeros_hbm, out_hbm, dst_v, ones_v, acc_sh, sem):
        c = lax.axis_index("c")
        s = lax.axis_index("s")
        w = c * NS + s
        pltpu.sync_copy(dst_hbm.at[w], dst_v)
        pltpu.sync_copy(ones_hbm, ones_v)
        pltpu.sync_copy(zeros_hbm.at[pl.ds(s * rps, rps)],
                        acc_sh.at[pl.ds(s * rps, rps)])
        plsc.subcore_barrier()

        @pl.loop(0, bpw)
        def _(j):
            pltpu.sync_copy(ones_v, acc_sh.at[dst_v.at[j]], add=True)

        plsc.subcore_barrier()
        pltpu.sync_copy(acc_sh.at[pl.ds(s * rps, rps)],
                        out_hbm.at[c, pl.ds(s * rps, rps)])

    return k(dst3d, ones, zeros)


def _sc_propagate(hp, src1d, dst3d, zeros, npad, d):
    e = src1d.shape[0]
    epw = e // NW
    bpw = dst3d.shape[1]
    rps = npad // NS
    nbuf = 2
    nout = (bpw + nbuf - 1) // nbuf

    row_t = [pltpu.VMEM((K, d), jnp.float32) for _ in range(nbuf)]
    sem_t = [pltpu.SemaphoreType.DMA for _ in range(nbuf)]

    @functools.partial(
        pl.kernel,
        out_type=jax.ShapeDtypeStruct((NC, npad, d), jnp.float32),
        mesh=_sc_mesh(),
        scratch_types=[
            pltpu.VMEM((epw,), jnp.int32),
            pltpu.VMEM((bpw, K), jnp.int32),
            pltpu.VMEM_SHARED((npad, d), jnp.float32),
        ] + row_t + sem_t,
    )
    def k(hp_hbm, src_hbm, dst_hbm, zeros_hbm, out_hbm,
          src_v, dst_v, acc_sh, *bufs_and_sems):
        rows = bufs_and_sems[:nbuf]
        gs = bufs_and_sems[nbuf:]
        c = lax.axis_index("c")
        s = lax.axis_index("s")
        w = c * NS + s
        pltpu.sync_copy(src_hbm.at[pl.ds(w * epw, epw)], src_v)
        pltpu.sync_copy(dst_hbm.at[w], dst_v)
        pltpu.sync_copy(zeros_hbm.at[pl.ds(s * rps, rps)],
                        acc_sh.at[pl.ds(s * rps, rps)])
        plsc.subcore_barrier()

        def gather(j, b):
            return pltpu.async_copy(
                hp_hbm.at[src_v.at[pl.ds(j * K, K)]], rows[b], gs[b])

        for b in range(nbuf):
            gather(b, b)

        @pl.loop(0, nout)
        def _(i):
            for b in range(nbuf):
                j = i * nbuf + b

                @pl.when(j < bpw)
                def _():
                    pltpu.make_async_copy(
                        hp_hbm.at[src_v.at[pl.ds(j * K, K)]],
                        rows[b], gs[b]).wait()
                    pltpu.sync_copy(rows[b], acc_sh.at[dst_v.at[j]],
                                    add=True)

                    @pl.when(j + nbuf < bpw)
                    def _():
                        gather(j + nbuf, b)

        plsc.subcore_barrier()
        pltpu.sync_copy(acc_sh.at[pl.ds(s * rps, rps)],
                        out_hbm.at[c, pl.ds(s * rps, rps)])

    return k(hp, src1d, dst3d, zeros)


_BN = 1000


def _tc_prep(x, w1, degacc):
    n, kd = x.shape
    d = w1.shape[1]

    def body(x_ref, w_ref, d0_ref, d1_ref, dis_ref, h1_ref, hp_ref):
        h1 = jnp.dot(x_ref[...], w_ref[...],
                     preferred_element_type=jnp.float32,
                     precision=lax.Precision.HIGHEST)
        deg = d0_ref[0, :, :1] + d1_ref[0, :, :1] + 1.0
        dis = lax.rsqrt(deg)
        dis_ref[...] = dis
        h1_ref[...] = h1
        hp_ref[...] = dis * h1

    return pl.pallas_call(
        body,
        grid=(n // _BN,),
        in_specs=[pl.BlockSpec((_BN, kd), lambda i: (i, 0)),
                  pl.BlockSpec((kd, d), lambda i: (0, 0)),
                  pl.BlockSpec((1, _BN, 128), lambda i: (0, i, 0)),
                  pl.BlockSpec((1, _BN, 128), lambda i: (1, i, 0))],
        out_specs=[pl.BlockSpec((_BN, 1), lambda i: (i, 0)),
                   pl.BlockSpec((_BN, d), lambda i: (i, 0)),
                   pl.BlockSpec((_BN, d), lambda i: (i, 0))],
        out_shape=[jax.ShapeDtypeStruct((n, 1), jnp.float32),
                   jax.ShapeDtypeStruct((n, d), jnp.float32),
                   jax.ShapeDtypeStruct((n, d), jnp.float32)],
    )(x, w1, degacc, degacc)


def _tc_mid(acc1, dis, h1, b1, w2):
    n, d = h1.shape
    dout = w2.shape[1]

    def body(a_ref, b_ref, dis_ref, h1_ref, bias_ref, w2_ref, h2_ref, hp2_ref):
        dis = dis_ref[...]
        z = dis * (a_ref[0] + b_ref[0]) + (dis * dis) * h1_ref[...] \
            + bias_ref[...]
        h = jnp.maximum(z, 0.0)
        h2 = jnp.dot(h, w2_ref[...], preferred_element_type=jnp.float32,
                     precision=lax.Precision.HIGHEST)
        h2_ref[...] = h2
        hp2 = dis * h2
        hp2_ref[...] = jnp.concatenate(
            [hp2, jnp.zeros((hp2.shape[0], d - dout), jnp.float32)], axis=1)

    return pl.pallas_call(
        body,
        grid=(n // _BN,),
        in_specs=[pl.BlockSpec((1, _BN, d), lambda i: (0, i, 0)),
                  pl.BlockSpec((1, _BN, d), lambda i: (1, i, 0)),
                  pl.BlockSpec((_BN, 1), lambda i: (i, 0)),
                  pl.BlockSpec((_BN, d), lambda i: (i, 0)),
                  pl.BlockSpec((1, d), lambda i: (0, 0)),
                  pl.BlockSpec((d, dout), lambda i: (0, 0))],
        out_specs=[pl.BlockSpec((_BN, dout), lambda i: (i, 0)),
                   pl.BlockSpec((_BN, d), lambda i: (i, 0))],
        out_shape=[jax.ShapeDtypeStruct((n, dout), jnp.float32),
                   jax.ShapeDtypeStruct((n, d), jnp.float32)],
    )(acc1, acc1, dis, h1, b1, w2)


def _tc_final(acc2, dis, h2, b2):
    n, d = h2.shape

    def body(a_ref, b_ref, dis_ref, h2_ref, bias_ref, o_ref):
        dis = dis_ref[...]
        z = dis * (a_ref[0, :, :h2_ref.shape[1]] +
                   b_ref[0, :, :h2_ref.shape[1]]) \
            + (dis * dis) * h2_ref[...] + bias_ref[...]
        m = jnp.max(z, axis=1, keepdims=True)
        lse = jnp.log(jnp.sum(jnp.exp(z - m), axis=1, keepdims=True)) + m
        o_ref[...] = z - lse

    return pl.pallas_call(
        body,
        grid=(n // _BN,),
        in_specs=[pl.BlockSpec((1, _BN, 128), lambda i: (0, i, 0)),
                  pl.BlockSpec((1, _BN, 128), lambda i: (1, i, 0)),
                  pl.BlockSpec((_BN, 1), lambda i: (i, 0)),
                  pl.BlockSpec((_BN, d), lambda i: (i, 0)),
                  pl.BlockSpec((1, d), lambda i: (0, 0))],
        out_specs=pl.BlockSpec((_BN, d), lambda i: (i, 0)),
        out_shape=jax.ShapeDtypeStruct((n, d), jnp.float32),
    )(acc2, acc2, dis, h2, b2)


def kernel(x, edge_index, W1, b1, W2, b2):
    n, _ = x.shape
    npad = ((n + 8 * NS - 1) // (8 * NS)) * (8 * NS)
    e = edge_index.shape[1]
    src = edge_index[0].astype(jnp.int32)
    dst3 = edge_index[1].astype(jnp.int32).reshape(NW, e // (NW * K), K)

    onesk = jnp.ones((K, 128), jnp.float32)
    zeros_h = jnp.zeros((npad, 128), jnp.float32)

    degacc = _sc_degree(dst3, onesk, zeros_h, npad)
    dis, h1, hp1 = _tc_prep(x, W1, degacc)
    acc1 = _sc_propagate(hp1, src, dst3, zeros_h, npad, 128)
    h2, hp2p = _tc_mid(acc1, dis, h1, b1.reshape(1, -1), W2)
    acc2 = _sc_propagate(hp2p, src, dst3, zeros_h, npad, 128)
    return _tc_final(acc2, dis, h2, b2.reshape(1, -1))

# --- scband reference (transcript-rebuilt; emitter-appended) ---
"""Pipeline reference for scband-net-orig-32229434589355 (READ-ONLY COPY).

The authoritative reference and input builder live on the scoring server;
editing this copy changes nothing except your own understanding.
"""

import jax, jax.numpy as jnp
import numpy as np

N_NODES = 10000
N_EDGES = 320000
IN_SIZE = 128
HID_SIZE = 128
OUT_SIZE = 64


def setup_inputs(seed: int = 0) -> dict:
    key = jax.random.key(seed)
    k_x, k_e, k_w1, k_b1, k_w2, k_b2 = jax.random.split(key, 6)
    x = jax.random.normal(k_x, (N_NODES, IN_SIZE), dtype=jnp.float32)
    edge_index = jax.random.randint(k_e, (2, N_EDGES), 0, N_NODES, dtype=jnp.int64)
    # Glorot-style init for GCN weights, zeros for bias (matches GCNConv defaults)
    s1 = jnp.sqrt(6.0 / (IN_SIZE + HID_SIZE))
    W1 = jax.random.uniform(k_w1, (IN_SIZE, HID_SIZE), minval=-s1, maxval=s1, dtype=jnp.float32)
    b1 = jnp.zeros((HID_SIZE,), dtype=jnp.float32)
    s2 = jnp.sqrt(6.0 / (HID_SIZE + OUT_SIZE))
    W2 = jax.random.uniform(k_w2, (HID_SIZE, OUT_SIZE), minval=-s2, maxval=s2, dtype=jnp.float32)
    b2 = jnp.zeros((OUT_SIZE,), dtype=jnp.float32)
    return {"x": x, "edge_index": edge_index, "W1": W1, "b1": b1, "W2": W2, "b2": b2}


def _gcn_conv(x, edge_index, W, b, n_nodes):
    # GCNConv: out = D^{-1/2} (A + I) D^{-1/2} X W + b
    src = edge_index[0]
    dst = edge_index[1]
    loops = jnp.arange(n_nodes, dtype=src.dtype)
    src = jnp.concatenate([src, loops])
    dst = jnp.concatenate([dst, loops])
    deg = jnp.zeros((n_nodes,), dtype=x.dtype).at[dst].add(1.0)
    deg_inv_sqrt = jnp.where(deg > 0, 1.0 / jnp.sqrt(deg), 0.0)
    norm = deg_inv_sqrt[src] * deg_inv_sqrt[dst]
    h = x @ W
    msg = jnp.take(h, src, axis=0) * norm[:, None]
    out = jnp.zeros((n_nodes, W.shape[1]), dtype=h.dtype).at[dst].add(msg)
    return out + b


def reference(x, edge_index, W1, b1, W2, b2):
    n = x.shape[0]
    h = jax.nn.relu(_gcn_conv(x, edge_index, W1, b1, n))
    # dropout is identity in eval mode (training=False)
    h = _gcn_conv(h, edge_index, W2, b2, n)
    return jax.nn.log_softmax(h, axis=1)

if __name__ == "__main__":
    import jax
    _d = setup_inputs()
    print(jax.jit(kernel)(*tuple(_d.values())))

</pallas_src>

<mosaic_0001>
#map = affine_map<(d0, d1) -> (0, 0)>
#map1 = affine_map<(d0, d1) -> (0)>
#map2 = affine_map<(d0, d1) -> (0, 0, 0)>
module attributes {stable_mosaic.version = 14 : i64} {
  func.func @k(%arg0: i32, %arg1: i32, %arg2: memref<10000x128xf32, #tpu.memory_space<hbm>>, %arg3: memref<320000xi32, #tpu.memory_space<hbm>>, %arg4: memref<32x125x80xi32, #tpu.memory_space<hbm>>, %arg5: memref<10112x128xf32, #tpu.memory_space<hbm>>, %arg6: memref<2x10112x128xf32, #tpu.memory_space<hbm>>, %arg7: memref<10000xi32, #tpu.memory_space<vmem>>, %arg8: memref<125x80xi32, #tpu.memory_space<vmem>>, %arg9: memref<10112x128xf32, #tpu.memory_space<vmem_shared>>, %arg10: memref<80x128xf32, #tpu.memory_space<vmem>>, %arg11: memref<80x128xf32, #tpu.memory_space<vmem>>, %arg12: memref<!tpu.dma_semaphore, #tpu.memory_space<semaphore_mem>>, %arg13: memref<!tpu.dma_semaphore, #tpu.memory_space<semaphore_mem>>) attributes {dimension_semantics = [#tpu.dimension_semantics<core_parallel>, #tpu.dimension_semantics<subcore_parallel>], iteration_bounds = array<i64: 2, 16>, scalar_prefetch = 0 : i64, scratch_operands = 7 : i64, tpu.core_type = #tpu.core_type<sc_vector_subcore>, window_params = [{transform_indices = #map}, {transform_indices = #map1}, {transform_indices = #map2}, {transform_indices = #map}, {transform_indices = #map2}]} {
    %mul3A = arith.constant 16 : i32
    %mul3A_0 = arith.muli %arg0, %mul3A : i32
    %add3A = arith.addi %mul3A_0, %arg1 : i32
    %mul3A_1 = arith.constant 10000 : i32
    %mul3A_2 = arith.muli %add3A, %mul3A_1 : i32
    "tpu.region"() ({
      %run_scoped3A = tpu.sem_alloc : memref<!tpu.dma_semaphore, #tpu.memory_space<semaphore_mem>>
      %dma_start3A_25 = tpu.memref_slice %arg3[%mul3A_2] : memref<320000xi32, #tpu.memory_space<hbm>> -> memref<10000xi32, #tpu.memory_space<hbm>>
      %dma_start3A_26 = tpu.memref_slice %arg3[%mul3A_2] : memref<320000xi32, #tpu.memory_space<hbm>> -> memref<10000xi32, #tpu.memory_space<hbm>>
      tpu.enqueue_dma source(%dma_start3A_26 : memref<10000xi32, #tpu.memory_space<hbm>>) target(%arg7 : memref<10000xi32, #tpu.memory_space<vmem>>) target_semaphore(%run_scoped3A : memref<!tpu.dma_semaphore, #tpu.memory_space<semaphore_mem>>)
      %dma_wait3A = tpu.memref_slice %arg3[%mul3A_2] : memref<320000xi32, #tpu.memory_space<hbm>> -> memref<10000xi32, #tpu.memory_space<hbm>>
      %dma_wait3A_27 = tpu.memref_slice %arg3[%mul3A_2] : memref<320000xi32, #tpu.memory_space<hbm>> -> memref<10000xi32, #tpu.memory_space<hbm>>
      tpu.wait_dma2 semaphore(%run_scoped3A : memref<!tpu.dma_semaphore, #tpu.memory_space<semaphore_mem>>) src(%dma_wait3A_27 : memref<10000xi32, #tpu.memory_space<hbm>>) dst(%arg7 : memref<10000xi32, #tpu.memory_space<vmem>>)
      tpu.yield
    }) : () -> ()
    "tpu.region"() ({
      %run_scoped3A = tpu.sem_alloc : memref<!tpu.dma_semaphore, #tpu.memory_space<semaphore_mem>>
      %dma_start3A_25 = arith.constant 0 : i32
      %dma_start3A_26 = arith.constant 0 : i32
      %dma_start3A_27 = tpu.memref_slice %arg4[%add3A, %dma_start3A_25, %dma_start3A_26] : memref<32x125x80xi32, #tpu.memory_space<hbm>> -> memref<1x125x80xi32, #tpu.memory_space<hbm>>
      %dma_start3A_28 = tpu.memref_squeeze %dma_start3A_27 : memref<1x125x80xi32, #tpu.memory_space<hbm>> -> memref<125x80xi32, #tpu.memory_space<hbm>>
      %dma_start3A_29 = arith.constant 0 : i32
      %dma_start3A_30 = arith.constant 0 : i32
      %dma_start3A_31 = tpu.memref_slice %arg4[%add3A, %dma_start3A_29, %dma_start3A_30] : memref<32x125x80xi32, #tpu.memory_space<hbm>> -> memref<1x125x80xi32, #tpu.memory_space<hbm>>
      %dma_start3A_32 = tpu.memref_squeeze %dma_start3A_31 : memref<1x125x80xi32, #tpu.memory_space<hbm>> -> memref<125x80xi32, #tpu.memory_space<hbm>>
      tpu.enqueue_dma source(%dma_start3A_32 : memref<125x80xi32, #tpu.memory_space<hbm>>) target(%arg8 : memref<125x80xi32, #tpu.memory_space<vmem>>) target_semaphore(%run_scoped3A : memref<!tpu.dma_semaphore, #tpu.memory_space<semaphore_mem>>)
      %dma_wait3A = arith.constant 0 : i32
      %dma_wait3A_33 = arith.constant 0 : i32
      %dma_wait3A_34 = tpu.memref_slice %arg4[%add3A, %dma_wait3A, %dma_wait3A_33] : memref<32x125x80xi32, #tpu.memory_space<hbm>> -> memref<1x125x80xi32, #tpu.memory_space<hbm>>
      %dma_wait3A_35 = tpu.memref_squeeze %dma_wait3A_34 : memref<1x125x80xi32, #tpu.memory_space<hbm>> -> memref<125x80xi32, #tpu.memory_space<hbm>>
      %dma_wait3A_36 = arith.constant 0 : i32
      %dma_wait3A_37 = arith.constant 0 : i32
      %dma_wait3A_38 = tpu.memref_slice %arg4[%add3A, %dma_wait3A_36, %dma_wait3A_37] : memref<32x125x80xi32, #tpu.memory_space<hbm>> -> memref<1x125x80xi32, #tpu.memory_space<hbm>>
      %dma_wait3A_39 = tpu.memref_squeeze %dma_wait3A_38 : memref<1x125x80xi32, #tpu.memory_space<hbm>> -> memref<125x80xi32, #tpu.memory_space<hbm>>
      tpu.wait_dma2 semaphore(%run_scoped3A : memref<!tpu.dma_semaphore, #tpu.memory_space<semaphore_mem>>) src(%dma_wait3A_39 : memref<125x80xi32, #tpu.memory_space<hbm>>) dst(%arg8 : memref<125x80xi32, #tpu.memory_space<vmem>>)
      tpu.yield
    }) : () -> ()
    %mul3A_3 = arith.constant 632 : i32
    %mul3A_4 = arith.muli %arg1, %mul3A_3 : i32
    %mul3A_5 = arith.constant 632 : i32
    %mul3A_6 = arith.muli %arg1, %mul3A_5 : i32
    "tpu.region"() ({
      %run_scoped3A = tpu.sem_alloc : memref<!tpu.dma_semaphore, #tpu.memory_space<semaphore_mem>>
      %dma_start3A_25 = arith.constant 0 : i32
      %dma_start3A_26 = tpu.memref_slice %arg9[%mul3A_6, %dma_start3A_25] : memref<10112x128xf32, #tpu.memory_space<vmem_shared>> -> memref<632x128xf32, #tpu.memory_space<vmem_shared>>
      %dma_start3A_27 = arith.constant 0 : i32
      %dma_start3A_28 = tpu.memref_slice %arg5[%mul3A_4, %dma_start3A_27] : memref<10112x128xf32, #tpu.memory_space<hbm>> -> memref<632x128xf32, #tpu.memory_space<hbm>>
      tpu.enqueue_dma source(%dma_start3A_28 : memref<632x128xf32, #tpu.memory_space<hbm>>) target(%dma_start3A_26 : memref<632x128xf32, #tpu.memory_space<vmem_shared>>) target_semaphore(%run_scoped3A : memref<!tpu.dma_semaphore, #tpu.memory_space<semaphore_mem>>)
      %dma_wait3A = arith.constant 0 : i32
      %dma_wait3A_29 = tpu.memref_slice %arg9[%mul3A_6, %dma_wait3A] : memref<10112x128xf32, #tpu.memory_space<vmem_shared>> -> memref<632x128xf32, #tpu.memory_space<vmem_shared>>
      %dma_wait3A_30 = arith.constant 0 : i32
      %dma_wait3A_31 = tpu.memref_slice %arg5[%mul3A_4, %dma_wait3A_30] : memref<10112x128xf32, #tpu.memory_space<hbm>> -> memref<632x128xf32, #tpu.memory_space<hbm>>
      tpu.wait_dma2 semaphore(%run_scoped3A : memref<!tpu.dma_semaphore, #tpu.memory_space<semaphore_mem>>) src(%dma_wait3A_31 : memref<632x128xf32, #tpu.memory_space<hbm>>) dst(%dma_wait3A_29 : memref<632x128xf32, #tpu.memory_space<vmem_shared>>)
      tpu.yield
    }) : () -> ()
    %barrier3A = arith.constant 0 : index
    tpu.barrier barrier_id(%barrier3A)
    %dma_start3A = arith.constant 0 : i32
    %dma_start3A_7 = tpu.memref_slice %arg7[%dma_start3A] : memref<10000xi32, #tpu.memory_space<vmem>> -> memref<80xi32, #tpu.memory_space<vmem>>
    %dma_start3A_8 = arith.constant 0 : i32
    %dma_start3A_9 = arith.constant 0 : i32
    %dma_start3A_10 = tpu.memref_slice %arg2[%dma_start3A_8, %dma_start3A_9] : memref<10000x128xf32, #tpu.memory_space<hbm>> -> memref<10000x128xf32, #tpu.memory_space<hbm>>
    tpu.enqueue_indirect_dma source(%dma_start3A_10 : memref<10000x128xf32, #tpu.memory_space<hbm>>) target(%arg10 : memref<80x128xf32, #tpu.memory_space<vmem>>) offsets(%dma_start3A_7 : memref<80xi32, #tpu.memory_space<vmem>>) semaphore(%arg12 : memref<!tpu.dma_semaphore, #tpu.memory_space<semaphore_mem>>)
    %dma_start3A_11 = arith.constant 80 : i32
    %dma_start3A_12 = tpu.memref_slice %arg7[%dma_start3A_11] : memref<10000xi32, #tpu.memory_space<vmem>> -> memref<80xi32, #tpu.memory_space<vmem>>
    %dma_start3A_13 = arith.constant 0 : i32
    %dma_start3A_14 = arith.constant 0 : i32
    %dma_start3A_15 = tpu.memref_slice %arg2[%dma_start3A_13, %dma_start3A_14] : memref<10000x128xf32, #tpu.memory_space<hbm>> -> memref<10000x128xf32, #tpu.memory_space<hbm>>
    tpu.enqueue_indirect_dma source(%dma_start3A_15 : memref<10000x128xf32, #tpu.memory_space<hbm>>) target(%arg11 : memref<80x128xf32, #tpu.memory_space<vmem>>) offsets(%dma_start3A_12 : memref<80xi32, #tpu.memory_space<vmem>>) semaphore(%arg13 : memref<!tpu.dma_semaphore, #tpu.memory_space<semaphore_mem>>)
    %scan3A = arith.constant 0 : i32
    %scan3A_16 = arith.constant 63 : i32
    %scan3A_17 = arith.addi %scan3A, %scan3A_16 : i32
    %scan3A_18 = arith.constant 1 : i32
    scf.for %scan3A_25 = %scan3A to %scan3A_17 step %scan3A_18  : i32 {
      %mul3A_26 = arith.constant 1 : i32
      %mul3A_27 = arith.muli %scan3A_25, %mul3A_26 : i32
      %add3A_28 = arith.constant 0 : i32
      %add3A_29 = arith.addi %add3A_28, %mul3A_27 : i32
      %mul3A_30 = arith.constant 2 : i32
      %mul3A_31 = arith.muli %add3A_29, %mul3A_30 : i32
      %add3A_32 = arith.constant 0 : i32
      %add3A_33 = arith.addi %mul3A_31, %add3A_32 : i32
      %lt3A = arith.constant 125 : i32
      %lt3A_34 = arith.cmpi slt, %add3A_33, %lt3A : i32
      %convert_element_type3A = arith.extui %lt3A_34 : i1 to i32
      %cond3A = arith.constant 0 : i32
      %cond3A_35 = arith.cmpi ne, %convert_element_type3A, %cond3A : i32
      scf.if %cond3A_35 {
        %mul3A_45 = arith.constant 80 : i32
        %mul3A_46 = arith.muli %add3A_33, %mul3A_45 : i32
        %dma_wait3A = tpu.memref_slice %arg7[%mul3A_46] : memref<10000xi32, #tpu.memory_space<vmem>> -> memref<80xi32, #tpu.memory_space<vmem>>
        %dma_wait3A_47 = arith.constant 0 : i32
        %dma_wait3A_48 = arith.constant 0 : i32
        %dma_wait3A_49 = tpu.memref_slice %arg2[%dma_wait3A_47, %dma_wait3A_48] : memref<10000x128xf32, #tpu.memory_space<hbm>> -> memref<10000x128xf32, #tpu.memory_space<hbm>>
        tpu.wait_indirect_dma semaphore(%arg12 : memref<!tpu.dma_semaphore, #tpu.memory_space<semaphore_mem>>) src(%dma_wait3A_49 : memref<10000x128xf32, #tpu.memory_space<hbm>>) dst(%arg10 : memref<80x128xf32, #tpu.memory_space<vmem>>)
        "tpu.region"() ({
          %run_scoped3A = tpu.sem_alloc : memref<!tpu.dma_semaphore, #tpu.memory_space<semaphore_mem>>
          %dma_start3A_57 = arith.constant 0 : i32
          %dma_start3A_58 = tpu.memref_slice %arg8[%add3A_33, %dma_start3A_57] : memref<125x80xi32, #tpu.memory_space<vmem>> -> memref<1x80xi32, #tpu.memory_space<vmem>>
          %dma_start3A_59 = tpu.memref_squeeze %dma_start3A_58 : memref<1x80xi32, #tpu.memory_space<vmem>> -> memref<80xi32, #tpu.memory_space<vmem>>
          %dma_start3A_60 = arith.constant 0 : i32
          %dma_start3A_61 = arith.constant 0 : i32
          %dma_start3A_62 = tpu.memref_slice %arg9[%dma_start3A_60, %dma_start3A_61] : memref<10112x128xf32, #tpu.memory_space<vmem_shared>> -> memref<10112x128xf32, #tpu.memory_space<vmem_shared>>
          tpu.enqueue_indirect_dma source(%arg10 : memref<80x128xf32, #tpu.memory_space<vmem>>) target(%dma_start3A_62 : memref<10112x128xf32, #tpu.memory_space<vmem_shared>>) offsets(%dma_start3A_59 : memref<80xi32, #tpu.memory_space<vmem>>) semaphore(%run_scoped3A : memref<!tpu.dma_semaphore, #tpu.memory_space<semaphore_mem>>) {add = true}
          %dma_wait3A_63 = arith.constant 0 : i32
          %dma_wait3A_64 = tpu.memref_slice %arg8[%add3A_33, %dma_wait3A_63] : memref<125x80xi32, #tpu.memory_space<vmem>> -> memref<1x80xi32, #tpu.memory_space<vmem>>
          %dma_wait3A_65 = tpu.memref_squeeze %dma_wait3A_64 : memref<1x80xi32, #tpu.memory_space<vmem>> -> memref<80xi32, #tpu.memory_space<vmem>>
          %dma_wait3A_66 = arith.constant 0 : i32
          %dma_wait3A_67 = arith.constant 0 : i32
          %dma_wait3A_68 = tpu.memref_slice %arg9[%dma_wait3A_66, %dma_wait3A_67] : memref<10112x128xf32, #tpu.memory_space<vmem_shared>> -> memref<10112x128xf32, #tpu.memory_space<vmem_shared>>
          tpu.wait_indirect_dma semaphore(%run_scoped3A : memref<!tpu.dma_semaphore, #tpu.memory_space<semaphore_mem>>) src(%arg10 : memref<80x128xf32, #tpu.memory_space<vmem>>) dst(%dma_wait3A_68 : memref<10112x128xf32, #tpu.memory_space<vmem_shared>>)
          tpu.yield
        }) : () -> ()
        %add3A_50 = arith.constant 2 : i32
        %add3A_51 = arith.addi %add3A_33, %add3A_50 : i32
        %lt3A_52 = arith.constant 125 : i32
        %lt3A_53 = arith.cmpi slt, %add3A_51, %lt3A_52 : i32
        %convert_element_type3A_54 = arith.extui %lt3A_53 : i1 to i32
        %cond3A_55 = arith.constant 0 : i32
        %cond3A_56 = arith.cmpi ne, %convert_element_type3A_54, %cond3A_55 : i32
        scf.if %cond3A_56 {
          %add3A_57 = arith.constant 2 : i32
          %add3A_58 = arith.addi %add3A_33, %add3A_57 : i32
          %mul3A_59 = arith.constant 80 : i32
          %mul3A_60 = arith.muli %add3A_58, %mul3A_59 : i32
          %dma_start3A_61 = tpu.memref_slice %arg7[%mul3A_60] : memref<10000xi32, #tpu.memory_space<vmem>> -> memref<80xi32, #tpu.memory_space<vmem>>
          %dma_start3A_62 = arith.constant 0 : i32
          %dma_start3A_63 = arith.constant 0 : i32
          %dma_start3A_64 = tpu.memref_slice %arg2[%dma_start3A_62, %dma_start3A_63] : memref<10000x128xf32, #tpu.memory_space<hbm>> -> memref<10000x128xf32, #tpu.memory_space<hbm>>
          tpu.enqueue_indirect_dma source(%dma_start3A_64 : memref<10000x128xf32, #tpu.memory_space<hbm>>) target(%arg10 : memref<80x128xf32, #tpu.memory_space<vmem>>) offsets(%dma_start3A_61 : memref<80xi32, #tpu.memory_space<vmem>>) semaphore(%arg12 : memref<!tpu.dma_semaphore, #tpu.memory_space<semaphore_mem>>)
        } else {
        }
      } else {
      }
      %mul3A_36 = arith.constant 2 : i32
      %mul3A_37 = arith.muli %add3A_29, %mul3A_36 : i32
      %add3A_38 = arith.constant 1 : i32
      %add3A_39 = arith.addi %mul3A_37, %add3A_38 : i32
      %lt3A_40 = arith.constant 125 : i32
      %lt3A_41 = arith.cmpi slt, %add3A_39, %lt3A_40 : i32
      %convert_element_type3A_42 = arith.extui %lt3A_41 : i1 to i32
      %cond3A_43 = arith.constant 0 : i32
      %cond3A_44 = arith.cmpi ne, %convert_element_type3A_42, %cond3A_43 : i32
      scf.if %cond3A_44 {
        %mul3A_45 = arith.constant 80 : i32
        %mul3A_46 = arith.muli %add3A_39, %mul3A_45 : i32
        %dma_wait3A = tpu.memref_slice %arg7[%mul3A_46] : memref<10000xi32, #tpu.memory_space<vmem>> -> memref<80xi32, #tpu.memory_space<vmem>>
        %dma_wait3A_47 = arith.constant 0 : i32
        %dma_wait3A_48 = arith.constant 0 : i32
        %dma_wait3A_49 = tpu.memref_slice %arg2[%dma_wait3A_47, %dma_wait3A_48] : memref<10000x128xf32, #tpu.memory_space<hbm>> -> memref<10000x128xf32, #tpu.memory_space<hbm>>
        tpu.wait_indirect_dma semaphore(%arg13 : memref<!tpu.dma_semaphore, #tpu.memory_space<semaphore_mem>>) src(%dma_wait3A_49 : memref<10000x128xf32, #tpu.memory_space<hbm>>) dst(%arg11 : memref<80x128xf32, #tpu.memory_space<vmem>>)
        "tpu.region"() ({
          %run_scoped3A = tpu.sem_alloc : memref<!tpu.dma_semaphore, #tpu.memory_space<semaphore_mem>>
          %dma_start3A_57 = arith.constant 0 : i32
          %dma_start3A_58 = tpu.memref_slice %arg8[%add3A_39, %dma_start3A_57] : memref<125x80xi32, #tpu.memory_space<vmem>> -> memref<1x80xi32, #tpu.memory_space<vmem>>
          %dma_start3A_59 = tpu.memref_squeeze %dma_start3A_58 : memref<1x80xi32, #tpu.memory_space<vmem>> -> memref<80xi32, #tpu.memory_space<vmem>>
          %dma_start3A_60 = arith.constant 0 : i32
          %dma_start3A_61 = arith.constant 0 : i32
          %dma_start3A_62 = tpu.memref_slice %arg9[%dma_start3A_60, %dma_start3A_61] : memref<10112x128xf32, #tpu.memory_space<vmem_shared>> -> memref<10112x128xf32, #tpu.memory_space<vmem_shared>>
          tpu.enqueue_indirect_dma source(%arg11 : memref<80x128xf32, #tpu.memory_space<vmem>>) target(%dma_start3A_62 : memref<10112x128xf32, #tpu.memory_space<vmem_shared>>) offsets(%dma_start3A_59 : memref<80xi32, #tpu.memory_space<vmem>>) semaphore(%run_scoped3A : memref<!tpu.dma_semaphore, #tpu.memory_space<semaphore_mem>>) {add = true}
          %dma_wait3A_63 = arith.constant 0 : i32
          %dma_wait3A_64 = tpu.memref_slice %arg8[%add3A_39, %dma_wait3A_63] : memref<125x80xi32, #tpu.memory_space<vmem>> -> memref<1x80xi32, #tpu.memory_space<vmem>>
          %dma_wait3A_65 = tpu.memref_squeeze %dma_wait3A_64 : memref<1x80xi32, #tpu.memory_space<vmem>> -> memref<80xi32, #tpu.memory_space<vmem>>
          %dma_wait3A_66 = arith.constant 0 : i32
          %dma_wait3A_67 = arith.constant 0 : i32
          %dma_wait3A_68 = tpu.memref_slice %arg9[%dma_wait3A_66, %dma_wait3A_67] : memref<10112x128xf32, #tpu.memory_space<vmem_shared>> -> memref<10112x128xf32, #tpu.memory_space<vmem_shared>>
          tpu.wait_indirect_dma semaphore(%run_scoped3A : memref<!tpu.dma_semaphore, #tpu.memory_space<semaphore_mem>>) src(%arg11 : memref<80x128xf32, #tpu.memory_space<vmem>>) dst(%dma_wait3A_68 : memref<10112x128xf32, #tpu.memory_space<vmem_shared>>)
          tpu.yield
        }) : () -> ()
        %add3A_50 = arith.constant 2 : i32
        %add3A_51 = arith.addi %add3A_39, %add3A_50 : i32
        %lt3A_52 = arith.constant 125 : i32
        %lt3A_53 = arith.cmpi slt, %add3A_51, %lt3A_52 : i32
        %convert_element_type3A_54 = arith.extui %lt3A_53 : i1 to i32
        %cond3A_55 = arith.constant 0 : i32
        %cond3A_56 = arith.cmpi ne, %convert_element_type3A_54, %cond3A_55 : i32
        scf.if %cond3A_56 {
          %add3A_57 = arith.constant 2 : i32
          %add3A_58 = arith.addi %add3A_39, %add3A_57 : i32
          %mul3A_59 = arith.constant 80 : i32
          %mul3A_60 = arith.muli %add3A_58, %mul3A_59 : i32
          %dma_start3A_61 = tpu.memref_slice %arg7[%mul3A_60] : memref<10000xi32, #tpu.memory_space<vmem>> -> memref<80xi32, #tpu.memory_space<vmem>>
          %dma_start3A_62 = arith.constant 0 : i32
          %dma_start3A_63 = arith.constant 0 : i32
          %dma_start3A_64 = tpu.memref_slice %arg2[%dma_start3A_62, %dma_start3A_63] : memref<10000x128xf32, #tpu.memory_space<hbm>> -> memref<10000x128xf32, #tpu.memory_space<hbm>>
          tpu.enqueue_indirect_dma source(%dma_start3A_64 : memref<10000x128xf32, #tpu.memory_space<hbm>>) target(%arg11 : memref<80x128xf32, #tpu.memory_space<vmem>>) offsets(%dma_start3A_61 : memref<80xi32, #tpu.memory_space<vmem>>) semaphore(%arg13 : memref<!tpu.dma_semaphore, #tpu.memory_space<semaphore_mem>>)
        } else {
        }
      } else {
      }
    }
    %scan3A_19 = arith.constant 63 : i32
    %barrier3A_20 = arith.constant 0 : index
    tpu.barrier barrier_id(%barrier3A_20)
    %mul3A_21 = arith.constant 632 : i32
    %mul3A_22 = arith.muli %arg1, %mul3A_21 : i32
    %mul3A_23 = arith.constant 632 : i32
    %mul3A_24 = arith.muli %arg1, %mul3A_23 : i32
    "tpu.region"() ({
      %run_scoped3A = tpu.sem_alloc : memref<!tpu.dma_semaphore, #tpu.memory_space<semaphore_mem>>
      %dma_start3A_25 = arith.constant 0 : i32
      %dma_start3A_26 = tpu.memref_slice %arg6[%arg0, %mul3A_24, %dma_start3A_25] : memref<2x10112x128xf32, #tpu.memory_space<hbm>> -> memref<1x632x128xf32, #tpu.memory_space<hbm>>
      %dma_start3A_27 = tpu.memref_squeeze %dma_start3A_26 : memref<1x632x128xf32, #tpu.memory_space<hbm>> -> memref<632x128xf32, #tpu.memory_space<hbm>>
      %dma_start3A_28 = arith.constant 0 : i32
      %dma_start3A_29 = tpu.memref_slice %arg9[%mul3A_22, %dma_start3A_28] : memref<10112x128xf32, #tpu.memory_space<vmem_shared>> -> memref<632x128xf32, #tpu.memory_space<vmem_shared>>
      tpu.enqueue_dma source(%dma_start3A_29 : memref<632x128xf32, #tpu.memory_space<vmem_shared>>) target(%dma_start3A_27 : memref<632x128xf32, #tpu.memory_space<hbm>>) target_semaphore(%run_scoped3A : memref<!tpu.dma_semaphore, #tpu.memory_space<semaphore_mem>>)
      %dma_wait3A = arith.constant 0 : i32
      %dma_wait3A_30 = tpu.memref_slice %arg6[%arg0, %mul3A_24, %dma_wait3A] : memref<2x10112x128xf32, #tpu.memory_space<hbm>> -> memref<1x632x128xf32, #tpu.memory_space<hbm>>
      %dma_wait3A_31 = tpu.memref_squeeze %dma_wait3A_30 : memref<1x632x128xf32, #tpu.memory_space<hbm>> -> memref<632x128xf32, #tpu.memory_space<hbm>>
      %dma_wait3A_32 = arith.constant 0 : i32
      %dma_wait3A_33 = tpu.memref_slice %arg9[%mul3A_22, %dma_wait3A_32] : memref<10112x128xf32, #tpu.memory_space<vmem_shared>> -> memref<632x128xf32, #tpu.memory_space<vmem_shared>>
      tpu.wait_dma2 semaphore(%run_scoped3A : memref<!tpu.dma_semaphore, #tpu.memory_space<semaphore_mem>>) src(%dma_wait3A_33 : memref<632x128xf32, #tpu.memory_space<vmem_shared>>) dst(%dma_wait3A_31 : memref<632x128xf32, #tpu.memory_space<hbm>>)
      tpu.yield
    }) : () -> ()
    return
  }
}

#map = affine_map<(d0, d1) -> (0, 0, 0)>
#map1 = affine_map<(d0, d1) -> (0, 0)>
module attributes {stable_mosaic.version = 14 : i64} {
  func.func @k(%arg0: i32, %arg1: i32, %arg2: memref<32x125x80xi32, #tpu.memory_space<hbm>>, %arg3: memref<80x128xf32, #tpu.memory_space<hbm>>, %arg4: memref<10112x128xf32, #tpu.memory_space<hbm>>, %arg5: memref<2x10112x128xf32, #tpu.memory_space<hbm>>, %arg6: memref<125x80xi32, #tpu.memory_space<vmem>>, %arg7: memref<80x128xf32, #tpu.memory_space<vmem>>, %arg8: memref<10112x128xf32, #tpu.memory_space<vmem_shared>>, %arg9: memref<!tpu.dma_semaphore, #tpu.memory_space<semaphore_mem>>) attributes {dimension_semantics = [#tpu.dimension_semantics<core_parallel>, #tpu.dimension_semantics<subcore_parallel>], iteration_bounds = array<i64: 2, 16>, scalar_prefetch = 0 : i64, scratch_operands = 4 : i64, tpu.core_type = #tpu.core_type<sc_vector_subcore>, window_params = [{transform_indices = #map}, {transform_indices = #map1}, {transform_indices = #map1}, {transform_indices = #map}]} {
    %mul3A = arith.constant 16 : i32
    %mul3A_0 = arith.muli %arg0, %mul3A : i32
    %add3A = arith.addi %mul3A_0, %arg1 : i32
    "tpu.region"() ({
      %run_scoped3A = tpu.sem_alloc : memref<!tpu.dma_semaphore, #tpu.memory_space<semaphore_mem>>
      %dma_start3A = arith.constant 0 : i32
      %dma_start3A_14 = arith.constant 0 : i32
      %dma_start3A_15 = tpu.memref_slice %arg2[%add3A, %dma_start3A, %dma_start3A_14] : memref<32x125x80xi32, #tpu.memory_space<hbm>> -> memref<1x125x80xi32, #tpu.memory_space<hbm>>
      %dma_start3A_16 = tpu.memref_squeeze %dma_start3A_15 : memref<1x125x80xi32, #tpu.memory_space<hbm>> -> memref<125x80xi32, #tpu.memory_space<hbm>>
      %dma_start3A_17 = arith.constant 0 : i32
      %dma_start3A_18 = arith.constant 0 : i32
      %dma_start3A_19 = tpu.memref_slice %arg2[%add3A, %dma_start3A_17, %dma_start3A_18] : memref<32x125x80xi32, #tpu.memory_space<hbm>> -> memref<1x125x80xi32, #tpu.memory_space<hbm>>
      %dma_start3A_20 = tpu.memref_squeeze %dma_start3A_19 : memref<1x125x80xi32, #tpu.memory_space<hbm>> -> memref<125x80xi32, #tpu.memory_space<hbm>>
      tpu.enqueue_dma source(%dma_start3A_20 : memref<125x80xi32, #tpu.memory_space<hbm>>) target(%arg6 : memref<125x80xi32, #tpu.memory_space<vmem>>) target_semaphore(%run_scoped3A : memref<!tpu.dma_semaphore, #tpu.memory_space<semaphore_mem>>)
      %dma_wait3A = arith.constant 0 : i32
      %dma_wait3A_21 = arith.constant 0 : i32
      %dma_wait3A_22 = tpu.memref_slice %arg2[%add3A, %dma_wait3A, %dma_wait3A_21] : memref<32x125x80xi32, #tpu.memory_space<hbm>> -> memref<1x125x80xi32, #tpu.memory_space<hbm>>
      %dma_wait3A_23 = tpu.memref_squeeze %dma_wait3A_22 : memref<1x125x80xi32, #tpu.memory_space<hbm>> -> memref<125x80xi32, #tpu.memory_space<hbm>>
      %dma_wait3A_24 = arith.constant 0 : i32
      %dma_wait3A_25 = arith.constant 0 : i32
      %dma_wait3A_26 = tpu.memref_slice %arg2[%add3A, %dma_wait3A_24, %dma_wait3A_25] : memref<32x125x80xi32, #tpu.memory_space<hbm>> -> memref<1x125x80xi32, #tpu.memory_space<hbm>>
      %dma_wait3A_27 = tpu.memref_squeeze %dma_wait3A_26 : memref<1x125x80xi32, #tpu.memory_space<hbm>> -> memref<125x80xi32, #tpu.memory_space<hbm>>
      tpu.wait_dma2 semaphore(%run_scoped3A : memref<!tpu.dma_semaphore, #tpu.memory_space<semaphore_mem>>) src(%dma_wait3A_27 : memref<125x80xi32, #tpu.memory_space<hbm>>) dst(%arg6 : memref<125x80xi32, #tpu.memory_space<vmem>>)
      tpu.yield
    }) : () -> ()
    "tpu.region"() ({
      %run_scoped3A = tpu.sem_alloc : memref<!tpu.dma_semaphore, #tpu.memory_space<semaphore_mem>>
      tpu.enqueue_dma source(%arg3 : memref<80x128xf32, #tpu.memory_space<hbm>>) target(%arg7 : memref<80x128xf32, #tpu.memory_space<vmem>>) target_semaphore(%run_scoped3A : memref<!tpu.dma_semaphore, #tpu.memory_space<semaphore_mem>>)
      tpu.wait_dma2 semaphore(%run_scoped3A : memref<!tpu.dma_semaphore, #tpu.memory_space<semaphore_mem>>) src(%arg3 : memref<80x128xf32, #tpu.memory_space<hbm>>) dst(%arg7 : memref<80x128xf32, #tpu.memory_space<vmem>>)
      tpu.yield
    }) : () -> ()
    %mul3A_1 = arith.constant 632 : i32
    %mul3A_2 = arith.muli %arg1, %mul3A_1 : i32
    %mul3A_3 = arith.constant 632 : i32
    %mul3A_4 = arith.muli %arg1, %mul3A_3 : i32
    "tpu.region"() ({
      %run_scoped3A = tpu.sem_alloc : memref<!tpu.dma_semaphore, #tpu.memory_space<semaphore_mem>>
      %dma_start3A = arith.constant 0 : i32
      %dma_start3A_14 = tpu.memref_slice %arg8[%mul3A_4, %dma_start3A] : memref<10112x128xf32, #tpu.memory_space<vmem_shared>> -> memref<632x128xf32, #tpu.memory_space<vmem_shared>>
      %dma_start3A_15 = arith.constant 0 : i32
      %dma_start3A_16 = tpu.memref_slice %arg4[%mul3A_2, %dma_start3A_15] : memref<10112x128xf32, #tpu.memory_space<hbm>> -> memref<632x128xf32, #tpu.memory_space<hbm>>
      tpu.enqueue_dma source(%dma_start3A_16 : memref<632x128xf32, #tpu.memory_space<hbm>>) target(%dma_start3A_14 : memref<632x128xf32, #tpu.memory_space<vmem_shared>>) target_semaphore(%run_scoped3A : memref<!tpu.dma_semaphore, #tpu.memory_space<semaphore_mem>>)
      %dma_wait3A = arith.constant 0 : i32
      %dma_wait3A_17 = tpu.memref_slice %arg8[%mul3A_4, %dma_wait3A] : memref<10112x128xf32, #tpu.memory_space<vmem_shared>> -> memref<632x128xf32, #tpu.memory_space<vmem_shared>>
      %dma_wait3A_18 = arith.constant 0 : i32
      %dma_wait3A_19 = tpu.memref_slice %arg4[%mul3A_2, %dma_wait3A_18] : memref<10112x128xf32, #tpu.memory_space<hbm>> -> memref<632x128xf32, #tpu.memory_space<hbm>>
      tpu.wait_dma2 semaphore(%run_scoped3A : memref<!tpu.dma_semaphore, #tpu.memory_space<semaphore_mem>>) src(%dma_wait3A_19 : memref<632x128xf32, #tpu.memory_space<hbm>>) dst(%dma_wait3A_17 : memref<632x128xf32, #tpu.memory_space<vmem_shared>>)
      tpu.yield
    }) : () -> ()
    %barrier3A = arith.constant 0 : index
    tpu.barrier barrier_id(%barrier3A)
    %scan3A = arith.constant 0 : i32
    %scan3A_5 = arith.constant 125 : i32
    %scan3A_6 = arith.addi %scan3A, %scan3A_5 : i32
    %scan3A_7 = arith.constant 1 : i32
    scf.for %scan3A_14 = %scan3A to %scan3A_6 step %scan3A_7  : i32 {
      %mul3A_15 = arith.constant 1 : i32
      %mul3A_16 = arith.muli %scan3A_14, %mul3A_15 : i32
      %add3A_17 = arith.constant 0 : i32
      %add3A_18 = arith.addi %add3A_17, %mul3A_16 : i32
      "tpu.region"() ({
        %run_scoped3A = tpu.sem_alloc : memref<!tpu.dma_semaphore, #tpu.memory_space<semaphore_mem>>
        %dma_start3A = arith.constant 0 : i32
        %dma_start3A_19 = tpu.memref_slice %arg6[%add3A_18, %dma_start3A] : memref<125x80xi32, #tpu.memory_space<vmem>> -> memref<1x80xi32, #tpu.memory_space<vmem>>
        %dma_start3A_20 = tpu.memref_squeeze %dma_start3A_19 : memref<1x80xi32, #tpu.memory_space<vmem>> -> memref<80xi32, #tpu.memory_space<vmem>>
        %dma_start3A_21 = arith.constant 0 : i32
        %dma_start3A_22 = arith.constant 0 : i32
        %dma_start3A_23 = tpu.memref_slice %arg8[%dma_start3A_21, %dma_start3A_22] : memref<10112x128xf32, #tpu.memory_space<vmem_shared>> -> memref<10112x128xf32, #tpu.memory_space<vmem_shared>>
        tpu.enqueue_indirect_dma source(%arg7 : memref<80x128xf32, #tpu.memory_space<vmem>>) target(%dma_start3A_23 : memref<10112x128xf32, #tpu.memory_space<vmem_shared>>) offsets(%dma_start3A_20 : memref<80xi32, #tpu.memory_space<vmem>>) semaphore(%run_scoped3A : memref<!tpu.dma_semaphore, #tpu.memory_space<semaphore_mem>>) {add = true}
        %dma_wait3A = arith.constant 0 : i32
        %dma_wait3A_24 = tpu.memref_slice %arg6[%add3A_18, %dma_wait3A] : memref<125x80xi32, #tpu.memory_space<vmem>> -> memref<1x80xi32, #tpu.memory_space<vmem>>
        %dma_wait3A_25 = tpu.memref_squeeze %dma_wait3A_24 : memref<1x80xi32, #tpu.memory_space<vmem>> -> memref<80xi32, #tpu.memory_space<vmem>>
        %dma_wait3A_26 = arith.constant 0 : i32
        %dma_wait3A_27 = arith.constant 0 : i32
        %dma_wait3A_28 = tpu.memref_slice %arg8[%dma_wait3A_26, %dma_wait3A_27] : memref<10112x128xf32, #tpu.memory_space<vmem_shared>> -> memref<10112x128xf32, #tpu.memory_space<vmem_shared>>
        tpu.wait_indirect_dma semaphore(%run_scoped3A : memref<!tpu.dma_semaphore, #tpu.memory_space<semaphore_mem>>) src(%arg7 : memref<80x128xf32, #tpu.memory_space<vmem>>) dst(%dma_wait3A_28 : memref<10112x128xf32, #tpu.memory_space<vmem_shared>>)
        tpu.yield
      }) : () -> ()
    }
    %scan3A_8 = arith.constant 125 : i32
    %barrier3A_9 = arith.constant 0 : index
    tpu.barrier barrier_id(%barrier3A_9)
    %mul3A_10 = arith.constant 632 : i32
    %mul3A_11 = arith.muli %arg1, %mul3A_10 : i32
    %mul3A_12 = arith.constant 632 : i32
    %mul3A_13 = arith.muli %arg1, %mul3A_12 : i32
    "tpu.region"() ({
      %run_scoped3A = tpu.sem_alloc : memref<!tpu.dma_semaphore, #tpu.memory_space<semaphore_mem>>
      %dma_start3A = arith.constant 0 : i32
      %dma_start3A_14 = tpu.memref_slice %arg5[%arg0, %mul3A_13, %dma_start3A] : memref<2x10112x128xf32, #tpu.memory_space<hbm>> -> memref<1x632x128xf32, #tpu.memory_space<hbm>>
      %dma_start3A_15 = tpu.memref_squeeze %dma_start3A_14 : memref<1x632x128xf32, #tpu.memory_space<hbm>> -> memref<632x128xf32, #tpu.memory_space<hbm>>
      %dma_start3A_16 = arith.constant 0 : i32
      %dma_start3A_17 = tpu.memref_slice %arg8[%mul3A_11, %dma_start3A_16] : memref<10112x128xf32, #tpu.memory_space<vmem_shared>> -> memref<632x128xf32, #tpu.memory_space<vmem_shared>>
      tpu.enqueue_dma source(%dma_start3A_17 : memref<632x128xf32, #tpu.memory_space<vmem_shared>>) target(%dma_start3A_15 : memref<632x128xf32, #tpu.memory_space<hbm>>) target_semaphore(%run_scoped3A : memref<!tpu.dma_semaphore, #tpu.memory_space<semaphore_mem>>)
      %dma_wait3A = arith.constant 0 : i32
      %dma_wait3A_18 = tpu.memref_slice %arg5[%arg0, %mul3A_13, %dma_wait3A] : memref<2x10112x128xf32, #tpu.memory_space<hbm>> -> memref<1x632x128xf32, #tpu.memory_space<hbm>>
      %dma_wait3A_19 = tpu.memref_squeeze %dma_wait3A_18 : memref<1x632x128xf32, #tpu.memory_space<hbm>> -> memref<632x128xf32, #tpu.memory_space<hbm>>
      %dma_wait3A_20 = arith.constant 0 : i32
      %dma_wait3A_21 = tpu.memref_slice %arg8[%mul3A_11, %dma_wait3A_20] : memref<10112x128xf32, #tpu.memory_space<vmem_shared>> -> memref<632x128xf32, #tpu.memory_space<vmem_shared>>
      tpu.wait_dma2 semaphore(%run_scoped3A : memref<!tpu.dma_semaphore, #tpu.memory_space<semaphore_mem>>) src(%dma_wait3A_21 : memref<632x128xf32, #tpu.memory_space<vmem_shared>>) dst(%dma_wait3A_19 : memref<632x128xf32, #tpu.memory_space<hbm>>)
      tpu.yield
    }) : () -> ()
    return
  }
}

#map = affine_map<(d0, d1) -> (0, 0)>
#map1 = affine_map<(d0, d1) -> (0)>
#map2 = affine_map<(d0, d1) -> (0, 0, 0)>
module attributes {stable_mosaic.version = 14 : i64} {
  func.func @k(%arg0: i32, %arg1: i32, %arg2: memref<10000x128xf32, #tpu.memory_space<hbm>>, %arg3: memref<320000xi32, #tpu.memory_space<hbm>>, %arg4: memref<32x125x80xi32, #tpu.memory_space<hbm>>, %arg5: memref<10112x128xf32, #tpu.memory_space<hbm>>, %arg6: memref<2x10112x128xf32, #tpu.memory_space<hbm>>, %arg7: memref<10000xi32, #tpu.memory_space<vmem>>, %arg8: memref<125x80xi32, #tpu.memory_space<vmem>>, %arg9: memref<10112x128xf32, #tpu.memory_space<vmem_shared>>, %arg10: memref<80x128xf32, #tpu.memory_space<vmem>>, %arg11: memref<80x128xf32, #tpu.memory_space<vmem>>, %arg12: memref<!tpu.dma_semaphore, #tpu.memory_space<semaphore_mem>>, %arg13: memref<!tpu.dma_semaphore, #tpu.memory_space<semaphore_mem>>) attributes {dimension_semantics = [#tpu.dimension_semantics<core_parallel>, #tpu.dimension_semantics<subcore_parallel>], iteration_bounds = array<i64: 2, 16>, scalar_prefetch = 0 : i64, scratch_operands = 7 : i64, tpu.core_type = #tpu.core_type<sc_vector_subcore>, window_params = [{transform_indices = #map}, {transform_indices = #map1}, {transform_indices = #map2}, {transform_indices = #map}, {transform_indices = #map2}]} {
    %mul3A = arith.constant 16 : i32
    %mul3A_0 = arith.muli %arg0, %mul3A : i32
    %add3A = arith.addi %mul3A_0, %arg1 : i32
    %mul3A_1 = arith.constant 10000 : i32
    %mul3A_2 = arith.muli %add3A, %mul3A_1 : i32
    "tpu.region"() ({
      %run_scoped3A = tpu.sem_alloc : memref<!tpu.dma_semaphore, #tpu.memory_space<semaphore_mem>>
      %dma_start3A_25 = tpu.memref_slice %arg3[%mul3A_2] : memref<320000xi32, #tpu.memory_space<hbm>> -> memref<10000xi32, #tpu.memory_space<hbm>>
      %dma_start3A_26 = tpu.memref_slice %arg3[%mul3A_2] : memref<320000xi32, #tpu.memory_space<hbm>> -> memref<10000xi32, #tpu.memory_space<hbm>>
      tpu.enqueue_dma source(%dma_start3A_26 : memref<10000xi32, #tpu.memory_space<hbm>>) target(%arg7 : memref<10000xi32, #tpu.memory_space<vmem>>) target_semaphore(%run_scoped3A : memref<!tpu.dma_semaphore, #tpu.memory_space<semaphore_mem>>)
      %dma_wait3A = tpu.memref_slice %arg3[%mul3A_2] : memref<320000xi32, #tpu.memory_space<hbm>> -> memref<10000xi32, #tpu.memory_space<hbm>>
      %dma_wait3A_27 = tpu.memref_slice %arg3[%mul3A_2] : memref<320000xi32, #tpu.memory_space<hbm>> -> memref<10000xi32, #tpu.memory_space<hbm>>
      tpu.wait_dma2 semaphore(%run_scoped3A : memref<!tpu.dma_semaphore, #tpu.memory_space<semaphore_mem>>) src(%dma_wait3A_27 : memref<10000xi32, #tpu.memory_space<hbm>>) dst(%arg7 : memref<10000xi32, #tpu.memory_space<vmem>>)
      tpu.yield
    }) : () -> ()
    "tpu.region"() ({
      %run_scoped3A = tpu.sem_alloc : memref<!tpu.dma_semaphore, #tpu.memory_space<semaphore_mem>>
      %dma_start3A_25 = arith.constant 0 : i32
      %dma_start3A_26 = arith.constant 0 : i32
      %dma_start3A_27 = tpu.memref_slice %arg4[%add3A, %dma_start3A_25, %dma_start3A_26] : memref<32x125x80xi32, #tpu.memory_space<hbm>> -> memref<1x125x80xi32, #tpu.memory_space<hbm>>
      %dma_start3A_28 = tpu.memref_squeeze %dma_start3A_27 : memref<1x125x80xi32, #tpu.memory_space<hbm>> -> memref<125x80xi32, #tpu.memory_space<hbm>>
      %dma_start3A_29 = arith.constant 0 : i32
      %dma_start3A_30 = arith.constant 0 : i32
      %dma_start3A_31 = tpu.memref_slice %arg4[%add3A, %dma_start3A_29, %dma_start3A_30] : memref<32x125x80xi32, #tpu.memory_space<hbm>> -> memref<1x125x80xi32, #tpu.memory_space<hbm>>
      %dma_start3A_32 = tpu.memref_squeeze %dma_start3A_31 : memref<1x125x80xi32, #tpu.memory_space<hbm>> -> memref<125x80xi32, #tpu.memory_space<hbm>>
      tpu.enqueue_dma source(%dma_start3A_32 : memref<125x80xi32, #tpu.memory_space<hbm>>) target(%arg8 : memref<125x80xi32, #tpu.memory_space<vmem>>) target_semaphore(%run_scoped3A : memref<!tpu.dma_semaphore, #tpu.memory_space<semaphore_mem>>)
      %dma_wait3A = arith.constant 0 : i32
      %dma_wait3A_33 = arith.constant 0 : i32
      %dma_wait3A_34 = tpu.memref_slice %arg4[%add3A, %dma_wait3A, %dma_wait3A_33] : memref<32x125x80xi32, #tpu.memory_space<hbm>> -> memref<1x125x80xi32, #tpu.memory_space<hbm>>
      %dma_wait3A_35 = tpu.memref_squeeze %dma_wait3A_34 : memref<1x125x80xi32, #tpu.memory_space<hbm>> -> memref<125x80xi32, #tpu.memory_space<hbm>>
      %dma_wait3A_36 = arith.constant 0 : i32
      %dma_wait3A_37 = arith.constant 0 : i32
      %dma_wait3A_38 = tpu.memref_slice %arg4[%add3A, %dma_wait3A_36, %dma_wait3A_37] : memref<32x125x80xi32, #tpu.memory_space<hbm>> -> memref<1x125x80xi32, #tpu.memory_space<hbm>>
      %dma_wait3A_39 = tpu.memref_squeeze %dma_wait3A_38 : memref<1x125x80xi32, #tpu.memory_space<hbm>> -> memref<125x80xi32, #tpu.memory_space<hbm>>
      tpu.wait_dma2 semaphore(%run_scoped3A : memref<!tpu.dma_semaphore, #tpu.memory_space<semaphore_mem>>) src(%dma_wait3A_39 : memref<125x80xi32, #tpu.memory_space<hbm>>) dst(%arg8 : memref<125x80xi32, #tpu.memory_space<vmem>>)
      tpu.yield
    }) : () -> ()
    %mul3A_3 = arith.constant 632 : i32
    %mul3A_4 = arith.muli %arg1, %mul3A_3 : i32
    %mul3A_5 = arith.constant 632 : i32
    %mul3A_6 = arith.muli %arg1, %mul3A_5 : i32
    "tpu.region"() ({
      %run_scoped3A = tpu.sem_alloc : memref<!tpu.dma_semaphore, #tpu.memory_space<semaphore_mem>>
      %dma_start3A_25 = arith.constant 0 : i32
      %dma_start3A_26 = tpu.memref_slice %arg9[%mul3A_6, %dma_start3A_25] : memref<10112x128xf32, #tpu.memory_space<vmem_shared>> -> memref<632x128xf32, #tpu.memory_space<vmem_shared>>
      %dma_start3A_27 = arith.constant 0 : i32
      %dma_start3A_28 = tpu.memref_slice %arg5[%mul3A_4, %dma_start3A_27] : memref<10112x128xf32, #tpu.memory_space<hbm>> -> memref<632x128xf32, #tpu.memory_space<hbm>>
      tpu.enqueue_dma source(%dma_start3A_28 : memref<632x128xf32, #tpu.memory_space<hbm>>) target(%dma_start3A_26 : memref<632x128xf32, #tpu.memory_space<vmem_shared>>) target_semaphore(%run_scoped3A : memref<!tpu.dma_semaphore, #tpu.memory_space<semaphore_mem>>)
      %dma_wait3A = arith.constant 0 : i32
      %dma_wait3A_29 = tpu.memref_slice %arg9[%mul3A_6, %dma_wait3A] : memref<10112x128xf32, #tpu.memory_space<vmem_shared>> -> memref<632x128xf32, #tpu.memory_space<vmem_shared>>
      %dma_wait3A_30 = arith.constant 0 : i32
      %dma_wait3A_31 = tpu.memref_slice %arg5[%mul3A_4, %dma_wait3A_30] : memref<10112x128xf32, #tpu.memory_space<hbm>> -> memref<632x128xf32, #tpu.memory_space<hbm>>
      tpu.wait_dma2 semaphore(%run_scoped3A : memref<!tpu.dma_semaphore, #tpu.memory_space<semaphore_mem>>) src(%dma_wait3A_31 : memref<632x128xf32, #tpu.memory_space<hbm>>) dst(%dma_wait3A_29 : memref<632x128xf32, #tpu.memory_space<vmem_shared>>)
      tpu.yield
    }) : () -> ()
    %barrier3A = arith.constant 0 : index
    tpu.barrier barrier_id(%barrier3A)
    %dma_start3A = arith.constant 0 : i32
    %dma_start3A_7 = tpu.memref_slice %arg7[%dma_start3A] : memref<10000xi32, #tpu.memory_space<vmem>> -> memref<80xi32, #tpu.memory_space<vmem>>
    %dma_start3A_8 = arith.constant 0 : i32
    %dma_start3A_9 = arith.constant 0 : i32
    %dma_start3A_10 = tpu.memref_slice %arg2[%dma_start3A_8, %dma_start3A_9] : memref<10000x128xf32, #tpu.memory_space<hbm>> -> memref<10000x128xf32, #tpu.memory_space<hbm>>
    tpu.enqueue_indirect_dma source(%dma_start3A_10 : memref<10000x128xf32, #tpu.memory_space<hbm>>) target(%arg10 : memref<80x128xf32, #tpu.memory_space<vmem>>) offsets(%dma_start3A_7 : memref<80xi32, #tpu.memory_space<vmem>>) semaphore(%arg12 : memref<!tpu.dma_semaphore, #tpu.memory_space<semaphore_mem>>)
    %dma_start3A_11 = arith.constant 80 : i32
    %dma_start3A_12 = tpu.memref_slice %arg7[%dma_start3A_11] : memref<10000xi32, #tpu.memory_space<vmem>> -> memref<80xi32, #tpu.memory_space<vmem>>
    %dma_start3A_13 = arith.constant 0 : i32
    %dma_start3A_14 = arith.constant 0 : i32
    %dma_start3A_15 = tpu.memref_slice %arg2[%dma_start3A_13, %dma_start3A_14] : memref<10000x128xf32, #tpu.memory_space<hbm>> -> memref<10000x128xf32, #tpu.memory_space<hbm>>
    tpu.enqueue_indirect_dma source(%dma_start3A_15 : memref<10000x128xf32, #tpu.memory_space<hbm>>) target(%arg11 : memref<80x128xf32, #tpu.memory_space<vmem>>) offsets(%dma_start3A_12 : memref<80xi32, #tpu.memory_space<vmem>>) semaphore(%arg13 : memref<!tpu.dma_semaphore, #tpu.memory_space<semaphore_mem>>)
    %scan3A = arith.constant 0 : i32
    %scan3A_16 = arith.constant 63 : i32
    %scan3A_17 = arith.addi %scan3A, %scan3A_16 : i32
    %scan3A_18 = arith.constant 1 : i32
    scf.for %scan3A_25 = %scan3A to %scan3A_17 step %scan3A_18  : i32 {
      %mul3A_26 = arith.constant 1 : i32
      %mul3A_27 = arith.muli %scan3A_25, %mul3A_26 : i32
      %add3A_28 = arith.constant 0 : i32
      %add3A_29 = arith.addi %add3A_28, %mul3A_27 : i32
      %mul3A_30 = arith.constant 2 : i32
      %mul3A_31 = arith.muli %add3A_29, %mul3A_30 : i32
      %add3A_32 = arith.constant 0 : i32
      %add3A_33 = arith.addi %mul3A_31, %add3A_32 : i32
      %lt3A = arith.constant 125 : i32
      %lt3A_34 = arith.cmpi slt, %add3A_33, %lt3A : i32
      %convert_element_type3A = arith.extui %lt3A_34 : i1 to i32
      %cond3A = arith.constant 0 : i32
      %cond3A_35 = arith.cmpi ne, %convert_element_type3A, %cond3A : i32
      scf.if %cond3A_35 {
        %mul3A_45 = arith.constant 80 : i32
        %mul3A_46 = arith.muli %add3A_33, %mul3A_45 : i32
        %dma_wait3A = tpu.memref_slice %arg7[%mul3A_46] : memref<10000xi32, #tpu.memory_space<vmem>> -> memref<80xi32, #tpu.memory_space<vmem>>
        %dma_wait3A_47 = arith.constant 0 : i32
        %dma_wait3A_48 = arith.constant 0 : i32
        %dma_wait3A_49 = tpu.memref_slice %arg2[%dma_wait3A_47, %dma_wait3A_48] : memref<10000x128xf32, #tpu.memory_space<hbm>> -> memref<10000x128xf32, #tpu.memory_space<hbm>>
        tpu.wait_indirect_dma semaphore(%arg12 : memref<!tpu.dma_semaphore, #tpu.memory_space<semaphore_mem>>) src(%dma_wait3A_49 : memref<10000x128xf32, #tpu.memory_space<hbm>>) dst(%arg10 : memref<80x128xf32, #tpu.memory_space<vmem>>)
        "tpu.region"() ({
          %run_scoped3A = tpu.sem_alloc : memref<!tpu.dma_semaphore, #tpu.memory_space<semaphore_mem>>
          %dma_start3A_57 = arith.constant 0 : i32
          %dma_start3A_58 = tpu.memref_slice %arg8[%add3A_33, %dma_start3A_57] : memref<125x80xi32, #tpu.memory_space<vmem>> -> memref<1x80xi32, #tpu.memory_space<vmem>>
          %dma_start3A_59 = tpu.memref_squeeze %dma_start3A_58 : memref<1x80xi32, #tpu.memory_space<vmem>> -> memref<80xi32, #tpu.memory_space<vmem>>
          %dma_start3A_60 = arith.constant 0 : i32
          %dma_start3A_61 = arith.constant 0 : i32
          %dma_start3A_62 = tpu.memref_slice %arg9[%dma_start3A_60, %dma_start3A_61] : memref<10112x128xf32, #tpu.memory_space<vmem_shared>> -> memref<10112x128xf32, #tpu.memory_space<vmem_shared>>
          tpu.enqueue_indirect_dma source(%arg10 : memref<80x128xf32, #tpu.memory_space<vmem>>) target(%dma_start3A_62 : memref<10112x128xf32, #tpu.memory_space<vmem_shared>>) offsets(%dma_start3A_59 : memref<80xi32, #tpu.memory_space<vmem>>) semaphore(%run_scoped3A : memref<!tpu.dma_semaphore, #tpu.memory_space<semaphore_mem>>) {add = true}
          %dma_wait3A_63 = arith.constant 0 : i32
          %dma_wait3A_64 = tpu.memref_slice %arg8[%add3A_33, %dma_wait3A_63] : memref<125x80xi32, #tpu.memory_space<vmem>> -> memref<1x80xi32, #tpu.memory_space<vmem>>
          %dma_wait3A_65 = tpu.memref_squeeze %dma_wait3A_64 : memref<1x80xi32, #tpu.memory_space<vmem>> -> memref<80xi32, #tpu.memory_space<vmem>>
          %dma_wait3A_66 = arith.constant 0 : i32
          %dma_wait3A_67 = arith.constant 0 : i32
          %dma_wait3A_68 = tpu.memref_slice %arg9[%dma_wait3A_66, %dma_wait3A_67] : memref<10112x128xf32, #tpu.memory_space<vmem_shared>> -> memref<10112x128xf32, #tpu.memory_space<vmem_shared>>
          tpu.wait_indirect_dma semaphore(%run_scoped3A : memref<!tpu.dma_semaphore, #tpu.memory_space<semaphore_mem>>) src(%arg10 : memref<80x128xf32, #tpu.memory_space<vmem>>) dst(%dma_wait3A_68 : memref<10112x128xf32, #tpu.memory_space<vmem_shared>>)
          tpu.yield
        }) : () -> ()
        %add3A_50 = arith.constant 2 : i32
        %add3A_51 = arith.addi %add3A_33, %add3A_50 : i32
        %lt3A_52 = arith.constant 125 : i32
        %lt3A_53 = arith.cmpi slt, %add3A_51, %lt3A_52 : i32
        %convert_element_type3A_54 = arith.extui %lt3A_53 : i1 to i32
        %cond3A_55 = arith.constant 0 : i32
        %cond3A_56 = arith.cmpi ne, %convert_element_type3A_54, %cond3A_55 : i32
        scf.if %cond3A_56 {
          %add3A_57 = arith.constant 2 : i32
          %add3A_58 = arith.addi %add3A_33, %add3A_57 : i32
          %mul3A_59 = arith.constant 80 : i32
          %mul3A_60 = arith.muli %add3A_58, %mul3A_59 : i32
          %dma_start3A_61 = tpu.memref_slice %arg7[%mul3A_60] : memref<10000xi32, #tpu.memory_space<vmem>> -> memref<80xi32, #tpu.memory_space<vmem>>
          %dma_start3A_62 = arith.constant 0 : i32
          %dma_start3A_63 = arith.constant 0 : i32
          %dma_start3A_64 = tpu.memref_slice %arg2[%dma_start3A_62, %dma_start3A_63] : memref<10000x128xf32, #tpu.memory_space<hbm>> -> memref<10000x128xf32, #tpu.memory_space<hbm>>
          tpu.enqueue_indirect_dma source(%dma_start3A_64 : memref<10000x128xf32, #tpu.memory_space<hbm>>) target(%arg10 : memref<80x128xf32, #tpu.memory_space<vmem>>) offsets(%dma_start3A_61 : memref<80xi32, #tpu.memory_space<vmem>>) semaphore(%arg12 : memref<!tpu.dma_semaphore, #tpu.memory_space<semaphore_mem>>)
        } else {
        }
      } else {
      }
      %mul3A_36 = arith.constant 2 : i32
      %mul3A_37 = arith.muli %add3A_29, %mul3A_36 : i32
      %add3A_38 = arith.constant 1 : i32
      %add3A_39 = arith.addi %mul3A_37, %add3A_38 : i32
      %lt3A_40 = arith.constant 125 : i32
      %lt3A_41 = arith.cmpi slt, %add3A_39, %lt3A_40 : i32
      %convert_element_type3A_42 = arith.extui %lt3A_41 : i1 to i32
      %cond3A_43 = arith.constant 0 : i32
      %cond3A_44 = arith.cmpi ne, %convert_element_type3A_42, %cond3A_43 : i32
      scf.if %cond3A_44 {
        %mul3A_45 = arith.constant 80 : i32
        %mul3A_46 = arith.muli %add3A_39, %mul3A_45 : i32
        %dma_wait3A = tpu.memref_slice %arg7[%mul3A_46] : memref<10000xi32, #tpu.memory_space<vmem>> -> memref<80xi32, #tpu.memory_space<vmem>>
        %dma_wait3A_47 = arith.constant 0 : i32
        %dma_wait3A_48 = arith.constant 0 : i32
        %dma_wait3A_49 = tpu.memref_slice %arg2[%dma_wait3A_47, %dma_wait3A_48] : memref<10000x128xf32, #tpu.memory_space<hbm>> -> memref<10000x128xf32, #tpu.memory_space<hbm>>
        tpu.wait_indirect_dma semaphore(%arg13 : memref<!tpu.dma_semaphore, #tpu.memory_space<semaphore_mem>>) src(%dma_wait3A_49 : memref<10000x128xf32, #tpu.memory_space<hbm>>) dst(%arg11 : memref<80x128xf32, #tpu.memory_space<vmem>>)
        "tpu.region"() ({
          %run_scoped3A = tpu.sem_alloc : memref<!tpu.dma_semaphore, #tpu.memory_space<semaphore_mem>>
          %dma_start3A_57 = arith.constant 0 : i32
          %dma_start3A_58 = tpu.memref_slice %arg8[%add3A_39, %dma_start3A_57] : memref<125x80xi32, #tpu.memory_space<vmem>> -> memref<1x80xi32, #tpu.memory_space<vmem>>
          %dma_start3A_59 = tpu.memref_squeeze %dma_start3A_58 : memref<1x80xi32, #tpu.memory_space<vmem>> -> memref<80xi32, #tpu.memory_space<vmem>>
          %dma_start3A_60 = arith.constant 0 : i32
          %dma_start3A_61 = arith.constant 0 : i32
          %dma_start3A_62 = tpu.memref_slice %arg9[%dma_start3A_60, %dma_start3A_61] : memref<10112x128xf32, #tpu.memory_space<vmem_shared>> -> memref<10112x128xf32, #tpu.memory_space<vmem_shared>>
          tpu.enqueue_indirect_dma source(%arg11 : memref<80x128xf32, #tpu.memory_space<vmem>>) target(%dma_start3A_62 : memref<10112x128xf32, #tpu.memory_space<vmem_shared>>) offsets(%dma_start3A_59 : memref<80xi32, #tpu.memory_space<vmem>>) semaphore(%run_scoped3A : memref<!tpu.dma_semaphore, #tpu.memory_space<semaphore_mem>>) {add = true}
          %dma_wait3A_63 = arith.constant 0 : i32
          %dma_wait3A_64 = tpu.memref_slice %arg8[%add3A_39, %dma_wait3A_63] : memref<125x80xi32, #tpu.memory_space<vmem>> -> memref<1x80xi32, #tpu.memory_space<vmem>>
          %dma_wait3A_65 = tpu.memref_squeeze %dma_wait3A_64 : memref<1x80xi32, #tpu.memory_space<vmem>> -> memref<80xi32, #tpu.memory_space<vmem>>
          %dma_wait3A_66 = arith.constant 0 : i32
          %dma_wait3A_67 = arith.constant 0 : i32
          %dma_wait3A_68 = tpu.memref_slice %arg9[%dma_wait3A_66, %dma_wait3A_67] : memref<10112x128xf32, #tpu.memory_space<vmem_shared>> -> memref<10112x128xf32, #tpu.memory_space<vmem_shared>>
          tpu.wait_indirect_dma semaphore(%run_scoped3A : memref<!tpu.dma_semaphore, #tpu.memory_space<semaphore_mem>>) src(%arg11 : memref<80x128xf32, #tpu.memory_space<vmem>>) dst(%dma_wait3A_68 : memref<10112x128xf32, #tpu.memory_space<vmem_shared>>)
          tpu.yield
        }) : () -> ()
        %add3A_50 = arith.constant 2 : i32
        %add3A_51 = arith.addi %add3A_39, %add3A_50 : i32
        %lt3A_52 = arith.constant 125 : i32
        %lt3A_53 = arith.cmpi slt, %add3A_51, %lt3A_52 : i32
        %convert_element_type3A_54 = arith.extui %lt3A_53 : i1 to i32
        %cond3A_55 = arith.constant 0 : i32
        %cond3A_56 = arith.cmpi ne, %convert_element_type3A_54, %cond3A_55 : i32
        scf.if %cond3A_56 {
          %add3A_57 = arith.constant 2 : i32
          %add3A_58 = arith.addi %add3A_39, %add3A_57 : i32
          %mul3A_59 = arith.constant 80 : i32
          %mul3A_60 = arith.muli %add3A_58, %mul3A_59 : i32
          %dma_start3A_61 = tpu.memref_slice %arg7[%mul3A_60] : memref<10000xi32, #tpu.memory_space<vmem>> -> memref<80xi32, #tpu.memory_space<vmem>>
          %dma_start3A_62 = arith.constant 0 : i32
          %dma_start3A_63 = arith.constant 0 : i32
          %dma_start3A_64 = tpu.memref_slice %arg2[%dma_start3A_62, %dma_start3A_63] : memref<10000x128xf32, #tpu.memory_space<hbm>> -> memref<10000x128xf32, #tpu.memory_space<hbm>>
          tpu.enqueue_indirect_dma source(%dma_start3A_64 : memref<10000x128xf32, #tpu.memory_space<hbm>>) target(%arg11 : memref<80x128xf32, #tpu.memory_space<vmem>>) offsets(%dma_start3A_61 : memref<80xi32, #tpu.memory_space<vmem>>) semaphore(%arg13 : memref<!tpu.dma_semaphore, #tpu.memory_space<semaphore_mem>>)
        } else {
        }
      } else {
      }
    }
    %scan3A_19 = arith.constant 63 : i32
    %barrier3A_20 = arith.constant 0 : index
    tpu.barrier barrier_id(%barrier3A_20)
    %mul3A_21 = arith.constant 632 : i32
    %mul3A_22 = arith.muli %arg1, %mul3A_21 : i32
    %mul3A_23 = arith.constant 632 : i32
    %mul3A_24 = arith.muli %arg1, %mul3A_23 : i32
    "tpu.region"() ({
      %run_scoped3A = tpu.sem_alloc : memref<!tpu.dma_semaphore, #tpu.memory_space<semaphore_mem>>
      %dma_start3A_25 = arith.constant 0 : i32
      %dma_start3A_26 = tpu.memref_slice %arg6[%arg0, %mul3A_24, %dma_start3A_25] : memref<2x10112x128xf32, #tpu.memory_space<hbm>> -> memref<1x632x128xf32, #tpu.memory_space<hbm>>
      %dma_start3A_27 = tpu.memref_squeeze %dma_start3A_26 : memref<1x632x128xf32, #tpu.memory_space<hbm>> -> memref<632x128xf32, #tpu.memory_space<hbm>>
      %dma_start3A_28 = arith.constant 0 : i32
      %dma_start3A_29 = tpu.memref_slice %arg9[%mul3A_22, %dma_start3A_28] : memref<10112x128xf32, #tpu.memory_space<vmem_shared>> -> memref<632x128xf32, #tpu.memory_space<vmem_shared>>
      tpu.enqueue_dma source(%dma_start3A_29 : memref<632x128xf32, #tpu.memory_space<vmem_shared>>) target(%dma_start3A_27 : memref<632x128xf32, #tpu.memory_space<hbm>>) target_semaphore(%run_scoped3A : memref<!tpu.dma_semaphore, #tpu.memory_space<semaphore_mem>>)
      %dma_wait3A = arith.constant 0 : i32
      %dma_wait3A_30 = tpu.memref_slice %arg6[%arg0, %mul3A_24, %dma_wait3A] : memref<2x10112x128xf32, #tpu.memory_space<hbm>> -> memref<1x632x128xf32, #tpu.memory_space<hbm>>
      %dma_wait3A_31 = tpu.memref_squeeze %dma_wait3A_30 : memref<1x632x128xf32, #tpu.memory_space<hbm>> -> memref<632x128xf32, #tpu.memory_space<hbm>>
      %dma_wait3A_32 = arith.constant 0 : i32
      %dma_wait3A_33 = tpu.memref_slice %arg9[%mul3A_22, %dma_wait3A_32] : memref<10112x128xf32, #tpu.memory_space<vmem_shared>> -> memref<632x128xf32, #tpu.memory_space<vmem_shared>>
      tpu.wait_dma2 semaphore(%run_scoped3A : memref<!tpu.dma_semaphore, #tpu.memory_space<semaphore_mem>>) src(%dma_wait3A_33 : memref<632x128xf32, #tpu.memory_space<vmem_shared>>) dst(%dma_wait3A_31 : memref<632x128xf32, #tpu.memory_space<hbm>>)
      tpu.yield
    }) : () -> ()
    return
  }
}

module attributes {stable_mosaic.version = 14 : i64} {
  func.func @body(%arg0: i32, %arg1: memref<1000x128xf32, #tpu.memory_space<vmem>>, %arg2: memref<128x128xf32, #tpu.memory_space<vmem>>, %arg3: memref<1x1000x128xf32, #tpu.memory_space<vmem>>, %arg4: memref<1x1000x128xf32, #tpu.memory_space<vmem>>, %arg5: memref<1000x1xf32, #tpu.memory_space<vmem>>, %arg6: memref<1000x128xf32, #tpu.memory_space<vmem>>, %arg7: memref<1000x128xf32, #tpu.memory_space<vmem>>) attributes {dimension_semantics = [#tpu.dimension_semantics<arbitrary>], iteration_bounds = array<i64: 10>, scalar_prefetch = 0 : i64, scratch_operands = 0 : i64, tpu.core_type = #tpu.core_type<tc>, window_params = [{transform_indices = @transform_0, window_bounds = array<i64: 1000, 128>}, {pipeline_mode = #tpu.pipeline_mode<synchronous>, transform_indices = @transform_1, window_bounds = array<i64: 128, 128>}, {transform_indices = @transform_2, window_bounds = array<i64: 1, 1000, 128>}, {transform_indices = @transform_3, window_bounds = array<i64: 1, 1000, 128>}, {transform_indices = @transform_4, window_bounds = array<i64: 1000, 1>}, {transform_indices = @transform_5, window_bounds = array<i64: 1000, 128>}, {transform_indices = @transform_6, window_bounds = array<i64: 1000, 128>}]} {
    %get3A = arith.constant 0 : index
    %get3A_0 = arith.constant 0 : index
    %get3A_1 = vector.load %arg1[%get3A, %get3A_0] : memref<1000x128xf32, #tpu.memory_space<vmem>>, vector<1000x128xf32>
    %get3A_2 = arith.constant 0 : index
    %get3A_3 = arith.constant 0 : index
    %get3A_4 = vector.load %arg2[%get3A_2, %get3A_3] : memref<128x128xf32, #tpu.memory_space<vmem>>, vector<128x128xf32>
    %dot_general3A = arith.constant dense<0.000000e+00> : vector<1000x128xf32>
    %dot_general3A_5 = tpu.matmul %get3A_1, %get3A_4, %dot_general3A {dimension_numbers = #tpu.dot_dimension_numbers<[1], [0], [0], [1], [0, 0, 1, 1], [], []>, precision = #tpu.contract_precision<fp32>, transpose_lhs_hint = false} : vector<1000x128xf32>, vector<128x128xf32>, vector<1000x128xf32> -> vector<1000x128xf32>
    %get3A_6 = arith.constant 0 : index
    %get3A_7 = arith.constant 0 : index
    %get3A_8 = arith.constant 0 : index
    %get3A_9 = vector.load %arg3[%get3A_6, %get3A_7, %get3A_8] : memref<1x1000x128xf32, #tpu.memory_space<vmem>>, vector<1x1000x1xf32>
    %get3A_10 = vector.shape_cast %get3A_9 : vector<1x1000x1xf32> to vector<1000x1xf32>
    %get3A_11 = arith.constant 0 : index
    %get3A_12 = arith.constant 0 : index
    %get3A_13 = arith.constant 0 : index
    %get3A_14 = vector.load %arg4[%get3A_11, %get3A_12, %get3A_13] : memref<1x1000x128xf32, #tpu.memory_space<vmem>>, vector<1x1000x1xf32>
    %get3A_15 = vector.shape_cast %get3A_14 : vector<1x1000x1xf32> to vector<1000x1xf32>
    %add3A = arith.addf %get3A_10, %get3A_15 : vector<1000x1xf32>
    %add3A_16 = arith.constant 1.000000e+00 : f32
    %add3A_17 = vector.broadcast %add3A_16 : f32 to vector<1000x1xf32>
    %add3A_18 = arith.addf %add3A, %add3A_17 : vector<1000x1xf32>
    %rsqrt3A = math.rsqrt %add3A_18 : vector<1000x1xf32>
    %swap3A = arith.constant 0 : index
    %swap3A_19 = arith.constant 0 : index
    %swap3A_20 = vector.load %arg5[%swap3A, %swap3A_19] : memref<1000x1xf32, #tpu.memory_space<vmem>>, vector<1000x1xf32>
    tpu.vector_store %arg5[%swap3A, %swap3A_19], %rsqrt3A {strides = array<i32>} : memref<1000x1xf32, #tpu.memory_space<vmem>>, vector<1000x1xf32>,
    %swap3A_21 = arith.constant 0 : index
    %swap3A_22 = arith.constant 0 : index
    %swap3A_23 = vector.load %arg6[%swap3A_21, %swap3A_22] : memref<1000x128xf32, #tpu.memory_space<vmem>>, vector<1000x128xf32>
    tpu.vector_store %arg6[%swap3A_21, %swap3A_22], %dot_general3A_5 {strides = array<i32>} : memref<1000x128xf32, #tpu.memory_space<vmem>>, vector<1000x128xf32>,
    %mul3A = vector.broadcast %rsqrt3A : vector<1000x1xf32> to vector<1000x128xf32>
    %mul3A_24 = arith.mulf %mul3A, %dot_general3A_5 : vector<1000x128xf32>
    %swap3A_25 = arith.constant 0 : index
    %swap3A_26 = arith.constant 0 : index
    %swap3A_27 = vector.load %arg7[%swap3A_25, %swap3A_26] : memref<1000x128xf32, #tpu.memory_space<vmem>>, vector<1000x128xf32>
    tpu.vector_store %arg7[%swap3A_25, %swap3A_26], %mul3A_24 {strides = array<i32>} : memref<1000x128xf32, #tpu.memory_space<vmem>>, vector<1000x128xf32>,
    return
  }
  func.func @transform_0(%arg0: i32) -> (i32, i32) {
    %c0_i32 = arith.constant 0 : i32
    %c0_i32_0 = arith.constant 0 : i32
    return %arg0, %c0_i32 : i32, i32
  }
  func.func @transform_1(%arg0: i32) -> (i32, i32) {
    %c0_i32 = arith.constant 0 : i32
    %c0_i32_0 = arith.constant 0 : i32
    %c0_i32_1 = arith.constant 0 : i32
    return %c0_i32, %c0_i32_0 : i32, i32
  }
  func.func @transform_2(%arg0: i32) -> (i32, i32, i32) {
    %c0_i32 = arith.constant 0 : i32
    %c0_i32_0 = arith.constant 0 : i32
    %c0_i32_1 = arith.constant 0 : i32
    return %c0_i32, %arg0, %c0_i32_0 : i32, i32, i32
  }
  func.func @transform_3(%arg0: i32) -> (i32, i32, i32) {
    %c1_i32 = arith.constant 1 : i32
    %c0_i32 = arith.constant 0 : i32
    %c0_i32_0 = arith.constant 0 : i32
    return %c1_i32, %arg0, %c0_i32 : i32, i32, i32
  }
  func.func @transform_4(%arg0: i32) -> (i32, i32) {
    %c0_i32 = arith.constant 0 : i32
    %c0_i32_0 = arith.constant 0 : i32
    return %arg0, %c0_i32 : i32, i32
  }
  func.func @transform_5(%arg0: i32) -> (i32, i32) {
    %c0_i32 = arith.constant 0 : i32
    %c0_i32_0 = arith.constant 0 : i32
    return %arg0, %c0_i32 : i32, i32
  }
  func.func @transform_6(%arg0: i32) -> (i32, i32) {
    %c0_i32 = arith.constant 0 : i32
    %c0_i32_0 = arith.constant 0 : i32
    return %arg0, %c0_i32 : i32, i32
  }
}

module attributes {stable_mosaic.version = 14 : i64} {
  func.func @body(%arg0: i32, %arg1: memref<1x1000x128xf32, #tpu.memory_space<vmem>>, %arg2: memref<1x1000x128xf32, #tpu.memory_space<vmem>>, %arg3: memref<1000x1xf32, #tpu.memory_space<vmem>>, %arg4: memref<1000x128xf32, #tpu.memory_space<vmem>>, %arg5: memref<1x128xf32, #tpu.memory_space<vmem>>, %arg6: memref<128x64xf32, #tpu.memory_space<vmem>>, %arg7: memref<1000x64xf32, #tpu.memory_space<vmem>>, %arg8: memref<1000x128xf32, #tpu.memory_space<vmem>>) attributes {dimension_semantics = [#tpu.dimension_semantics<arbitrary>], iteration_bounds = array<i64: 10>, scalar_prefetch = 0 : i64, scratch_operands = 0 : i64, tpu.core_type = #tpu.core_type<tc>, window_params = [{transform_indices = @transform_0, window_bounds = array<i64: 1, 1000, 128>}, {transform_indices = @transform_1, window_bounds = array<i64: 1, 1000, 128>}, {transform_indices = @transform_2, window_bounds = array<i64: 1000, 1>}, {transform_indices = @transform_3, window_bounds = array<i64: 1000, 128>}, {pipeline_mode = #tpu.pipeline_mode<synchronous>, transform_indices = @transform_4, window_bounds = array<i64: 1, 128>}, {pipeline_mode = #tpu.pipeline_mode<synchronous>, transform_indices = @transform_5, window_bounds = array<i64: 128, 64>}, {transform_indices = @transform_6, window_bounds = array<i64: 1000, 64>}, {transform_indices = @transform_7, window_bounds = array<i64: 1000, 128>}]} {
    %get3A = arith.constant 0 : index
    %get3A_0 = arith.constant 0 : index
    %get3A_1 = vector.load %arg3[%get3A, %get3A_0] : memref<1000x1xf32, #tpu.memory_space<vmem>>, vector<1000x1xf32>
    %get3A_2 = arith.constant 0 : index
    %get3A_3 = arith.constant 0 : index
    %get3A_4 = arith.constant 0 : index
    %get3A_5 = vector.load %arg1[%get3A_2, %get3A_3, %get3A_4] : memref<1x1000x128xf32, #tpu.memory_space<vmem>>, vector<1x1000x128xf32>
    %get3A_6 = vector.shape_cast %get3A_5 : vector<1x1000x128xf32> to vector<1000x128xf32>
    %get3A_7 = arith.constant 0 : index
    %get3A_8 = arith.constant 0 : index
    %get3A_9 = arith.constant 0 : index
    %get3A_10 = vector.load %arg2[%get3A_7, %get3A_8, %get3A_9] : memref<1x1000x128xf32, #tpu.memory_space<vmem>>, vector<1x1000x128xf32>
    %get3A_11 = vector.shape_cast %get3A_10 : vector<1x1000x128xf32> to vector<1000x128xf32>
    %add3A = arith.addf %get3A_6, %get3A_11 : vector<1000x128xf32>
    %mul3A = vector.broadcast %get3A_1 : vector<1000x1xf32> to vector<1000x128xf32>
    %mul3A_12 = arith.mulf %mul3A, %add3A : vector<1000x128xf32>
    %mul3A_13 = arith.mulf %get3A_1, %get3A_1 : vector<1000x1xf32>
    %get3A_14 = arith.constant 0 : index
    %get3A_15 = arith.constant 0 : index
    %get3A_16 = vector.load %arg4[%get3A_14, %get3A_15] : memref<1000x128xf32, #tpu.memory_space<vmem>>, vector<1000x128xf32>
    %mul3A_17 = vector.broadcast %mul3A_13 : vector<1000x1xf32> to vector<1000x128xf32>
    %mul3A_18 = arith.mulf %mul3A_17, %get3A_16 : vector<1000x128xf32>
    %add3A_19 = arith.addf %mul3A_12, %mul3A_18 : vector<1000x128xf32>
    %get3A_20 = arith.constant 0 : index
    %get3A_21 = arith.constant 0 : index
    %get3A_22 = vector.load %arg5[%get3A_20, %get3A_21] : memref<1x128xf32, #tpu.memory_space<vmem>>, vector<1x128xf32>
    %add3A_23 = vector.broadcast %get3A_22 : vector<1x128xf32> to vector<1000x128xf32>
    %add3A_24 = arith.addf %add3A_19, %add3A_23 : vector<1000x128xf32>
    %max3A = arith.constant 0.000000e+00 : f32
    %max3A_25 = vector.broadcast %max3A : f32 to vector<1000x128xf32>
    %max3A_26 = arith.maximumf %add3A_24, %max3A_25 : vector<1000x128xf32>
    %get3A_27 = arith.constant 0 : index
    %get3A_28 = arith.constant 0 : index
    %get3A_29 = vector.load %arg6[%get3A_27, %get3A_28] : memref<128x64xf32, #tpu.memory_space<vmem>>, vector<128x64xf32>
    %dot_general3A = arith.constant dense<0.000000e+00> : vector<1000x64xf32>
    %dot_general3A_30 = tpu.matmul %max3A_26, %get3A_29, %dot_general3A {dimension_numbers = #tpu.dot_dimension_numbers<[1], [0], [0], [1], [0, 0, 1, 1], [], []>, precision = #tpu.contract_precision<fp32>, transpose_lhs_hint = false} : vector<1000x128xf32>, vector<128x64xf32>, vector<1000x64xf32> -> vector<1000x64xf32>
    %swap3A = arith.constant 0 : index
    %swap3A_31 = arith.constant 0 : index
    %swap3A_32 = vector.load %arg7[%swap3A, %swap3A_31] : memref<1000x64xf32, #tpu.memory_space<vmem>>, vector<1000x64xf32>
    tpu.vector_store %arg7[%swap3A, %swap3A_31], %dot_general3A_30 {strides = array<i32>} : memref<1000x64xf32, #tpu.memory_space<vmem>>, vector<1000x64xf32>,
    %mul3A_33 = vector.broadcast %get3A_1 : vector<1000x1xf32> to vector<1000x64xf32>
    %mul3A_34 = arith.mulf %mul3A_33, %dot_general3A_30 : vector<1000x64xf32>
    %broadcast_in_dim3A = arith.constant 0.000000e+00 : f32
    %broadcast_in_dim3A_35 = vector.broadcast %broadcast_in_dim3A : f32 to vector<1000x64xf32>
    %concatenate3A = tpu.concatenate %mul3A_34, %broadcast_in_dim3A_35 in 1 : vector<1000x64xf32>, vector<1000x64xf32> -> vector<1000x128xf32>
    %swap3A_36 = arith.constant 0 : index
    %swap3A_37 = arith.constant 0 : index
    %swap3A_38 = vector.load %arg8[%swap3A_36, %swap3A_37] : memref<1000x128xf32, #tpu.memory_space<vmem>>, vector<1000x128xf32>
    tpu.vector_store %arg8[%swap3A_36, %swap3A_37], %concatenate3A {strides = array<i32>} : memref<1000x128xf32, #tpu.memory_space<vmem>>, vector<1000x128xf32>,
    return
  }
  func.func @transform_0(%arg0: i32) -> (i32, i32, i32) {
    %c0_i32 = arith.constant 0 : i32
    %c0_i32_0 = arith.constant 0 : i32
    %c0_i32_1 = arith.constant 0 : i32
    return %c0_i32, %arg0, %c0_i32_0 : i32, i32, i32
  }
  func.func @transform_1(%arg0: i32) -> (i32, i32, i32) {
    %c1_i32 = arith.constant 1 : i32
    %c0_i32 = arith.constant 0 : i32
    %c0_i32_0 = arith.constant 0 : i32
    return %c1_i32, %arg0, %c0_i32 : i32, i32, i32
  }
  func.func @transform_2(%arg0: i32) -> (i32, i32) {
    %c0_i32 = arith.constant 0 : i32
    %c0_i32_0 = arith.constant 0 : i32
    return %arg0, %c0_i32 : i32, i32
  }
  func.func @transform_3(%arg0: i32) -> (i32, i32) {
    %c0_i32 = arith.constant 0 : i32
    %c0_i32_0 = arith.constant 0 : i32
    return %arg0, %c0_i32 : i32, i32
  }
  func.func @transform_4(%arg0: i32) -> (i32, i32) {
    %c0_i32 = arith.constant 0 : i32
    %c0_i32_0 = arith.constant 0 : i32
    %c0_i32_1 = arith.constant 0 : i32
    return %c0_i32, %c0_i32_0 : i32, i32
  }
  func.func @transform_5(%arg0: i32) -> (i32, i32) {
    %c0_i32 = arith.constant 0 : i32
    %c0_i32_0 = arith.constant 0 : i32
    %c0_i32_1 = arith.constant 0 : i32
    return %c0_i32, %c0_i32_0 : i32, i32
  }
  func.func @transform_6(%arg0: i32) -> (i32, i32) {
    %c0_i32 = arith.constant 0 : i32
    %c0_i32_0 = arith.constant 0 : i32
    return %arg0, %c0_i32 : i32, i32
  }
  func.func @transform_7(%arg0: i32) -> (i32, i32) {
    %c0_i32 = arith.constant 0 : i32
    %c0_i32_0 = arith.constant 0 : i32
    return %arg0, %c0_i32 : i32, i32
  }
}

module attributes {stable_mosaic.version = 14 : i64} {
  func.func @body(%arg0: i32, %arg1: memref<1x1000x128xf32, #tpu.memory_space<vmem>>, %arg2: memref<1x1000x128xf32, #tpu.memory_space<vmem>>, %arg3: memref<1000x1xf32, #tpu.memory_space<vmem>>, %arg4: memref<1000x64xf32, #tpu.memory_space<vmem>>, %arg5: memref<1x64xf32, #tpu.memory_space<vmem>>, %arg6: memref<1000x64xf32, #tpu.memory_space<vmem>>) attributes {dimension_semantics = [#tpu.dimension_semantics<arbitrary>], iteration_bounds = array<i64: 10>, scalar_prefetch = 0 : i64, scratch_operands = 0 : i64, tpu.core_type = #tpu.core_type<tc>, window_params = [{transform_indices = @transform_0, window_bounds = array<i64: 1, 1000, 128>}, {transform_indices = @transform_1, window_bounds = array<i64: 1, 1000, 128>}, {transform_indices = @transform_2, window_bounds = array<i64: 1000, 1>}, {transform_indices = @transform_3, window_bounds = array<i64: 1000, 64>}, {pipeline_mode = #tpu.pipeline_mode<synchronous>, transform_indices = @transform_4, window_bounds = array<i64: 1, 64>}, {transform_indices = @transform_5, window_bounds = array<i64: 1000, 64>}]} {
    %get3A = arith.constant 0 : index
    %get3A_0 = arith.constant 0 : index
    %get3A_1 = vector.load %arg3[%get3A, %get3A_0] : memref<1000x1xf32, #tpu.memory_space<vmem>>, vector<1000x1xf32>
    %get3A_2 = arith.constant 0 : index
    %get3A_3 = arith.constant 0 : index
    %get3A_4 = arith.constant 0 : index
    %get3A_5 = vector.load %arg1[%get3A_2, %get3A_3, %get3A_4] : memref<1x1000x128xf32, #tpu.memory_space<vmem>>, vector<1x1000x64xf32>
    %get3A_6 = vector.shape_cast %get3A_5 : vector<1x1000x64xf32> to vector<1000x64xf32>
    %get3A_7 = arith.constant 0 : index
    %get3A_8 = arith.constant 0 : index
    %get3A_9 = arith.constant 0 : index
    %get3A_10 = vector.load %arg2[%get3A_7, %get3A_8, %get3A_9] : memref<1x1000x128xf32, #tpu.memory_space<vmem>>, vector<1x1000x64xf32>
    %get3A_11 = vector.shape_cast %get3A_10 : vector<1x1000x64xf32> to vector<1000x64xf32>
    %add3A = arith.addf %get3A_6, %get3A_11 : vector<1000x64xf32>
    %mul3A = vector.broadcast %get3A_1 : vector<1000x1xf32> to vector<1000x64xf32>
    %mul3A_12 = arith.mulf %mul3A, %add3A : vector<1000x64xf32>
    %mul3A_13 = arith.mulf %get3A_1, %get3A_1 : vector<1000x1xf32>
    %get3A_14 = arith.constant 0 : index
    %get3A_15 = arith.constant 0 : index
    %get3A_16 = vector.load %arg4[%get3A_14, %get3A_15] : memref<1000x64xf32, #tpu.memory_space<vmem>>, vector<1000x64xf32>
    %mul3A_17 = vector.broadcast %mul3A_13 : vector<1000x1xf32> to vector<1000x64xf32>
    %mul3A_18 = arith.mulf %mul3A_17, %get3A_16 : vector<1000x64xf32>
    %add3A_19 = arith.addf %mul3A_12, %mul3A_18 : vector<1000x64xf32>
    %get3A_20 = arith.constant 0 : index
    %get3A_21 = arith.constant 0 : index
    %get3A_22 = vector.load %arg5[%get3A_20, %get3A_21] : memref<1x64xf32, #tpu.memory_space<vmem>>, vector<1x64xf32>
    %add3A_23 = vector.broadcast %get3A_22 : vector<1x64xf32> to vector<1000x64xf32>
    %add3A_24 = arith.addf %add3A_19, %add3A_23 : vector<1000x64xf32>
    %reduce_max3A = arith.constant dense<0xFF800000> : vector<1000xf32>
    %reduce_max3A_25 = vector.multi_reduction <maximumf>, %add3A_24, %reduce_max3A [1] : vector<1000x64xf32> to vector<1000xf32>
    %broadcast_in_dim3A = vector.shape_cast %reduce_max3A_25 : vector<1000xf32> to vector<1000x1xf32>
    %sub3A = vector.broadcast %broadcast_in_dim3A : vector<1000x1xf32> to vector<1000x64xf32>
    %sub3A_26 = arith.subf %add3A_24, %sub3A : vector<1000x64xf32>
    %exp3A = math.exp %sub3A_26 : vector<1000x64xf32>
    %reduce_sum3A = arith.constant dense<0.000000e+00> : vector<1000xf32>
    %reduce_sum3A_27 = vector.multi_reduction <add>, %exp3A, %reduce_sum3A [1] : vector<1000x64xf32> to vector<1000xf32>
    %broadcast_in_dim3A_28 = vector.shape_cast %reduce_sum3A_27 : vector<1000xf32> to vector<1000x1xf32>
    %log3A = math.log %broadcast_in_dim3A_28 : vector<1000x1xf32>
    %add3A_29 = arith.addf %log3A, %broadcast_in_dim3A : vector<1000x1xf32>
    %sub3A_30 = vector.broadcast %add3A_29 : vector<1000x1xf32> to vector<1000x64xf32>
    %sub3A_31 = arith.subf %add3A_24, %sub3A_30 : vector<1000x64xf32>
    %swap3A = arith.constant 0 : index
    %swap3A_32 = arith.constant 0 : index
    %swap3A_33 = vector.load %arg6[%swap3A, %swap3A_32] : memref<1000x64xf32, #tpu.memory_space<vmem>>, vector<1000x64xf32>
    tpu.vector_store %arg6[%swap3A, %swap3A_32], %sub3A_31 {strides = array<i32>} : memref<1000x64xf32, #tpu.memory_space<vmem>>, vector<1000x64xf32>,
    return
  }
  func.func @transform_0(%arg0: i32) -> (i32, i32, i32) {
    %c0_i32 = arith.constant 0 : i32
    %c0_i32_0 = arith.constant 0 : i32
    %c0_i32_1 = arith.constant 0 : i32
    return %c0_i32, %arg0, %c0_i32_0 : i32, i32, i32
  }
  func.func @transform_1(%arg0: i32) -> (i32, i32, i32) {
    %c1_i32 = arith.constant 1 : i32
    %c0_i32 = arith.constant 0 : i32
    %c0_i32_0 = arith.constant 0 : i32
    return %c1_i32, %arg0, %c0_i32 : i32, i32, i32
  }
  func.func @transform_2(%arg0: i32) -> (i32, i32) {
    %c0_i32 = arith.constant 0 : i32
    %c0_i32_0 = arith.constant 0 : i32
    return %arg0, %c0_i32 : i32, i32
  }
  func.func @transform_3(%arg0: i32) -> (i32, i32) {
    %c0_i32 = arith.constant 0 : i32
    %c0_i32_0 = arith.constant 0 : i32
    return %arg0, %c0_i32 : i32, i32
  }
  func.func @transform_4(%arg0: i32) -> (i32, i32) {
    %c0_i32 = arith.constant 0 : i32
    %c0_i32_0 = arith.constant 0 : i32
    %c0_i32_1 = arith.constant 0 : i32
    return %c0_i32, %c0_i32_0 : i32, i32
  }
  func.func @transform_5(%arg0: i32) -> (i32, i32) {
    %c0_i32 = arith.constant 0 : i32
    %c0_i32_0 = arith.constant 0 : i32
    return %arg0, %c0_i32 : i32, i32
  }
}

</mosaic_0001>

<sc_bundles>
// kernel: kernel.11.cloned.1.call-start
scs
__scs_entry_jumppad:
0x0: {  	(pc) =	sbr.rel $0x88, $3  }
0x1: {  	(tag) =	ssettag $0x0;
	lr =	simm.s32 $0x1  }
0x2: {  	[smem:$0x3F9B] =	sst lr;
	_ =	strace $0xD0000000  }
0x3: {  	_ = 	snop  }
0x4: {  	_ = 	snop  }
0x5: {  	_ = 	snop  }
0x6: {  	_ = 	snop  }
0x7: {  	_ = 	snop  }
__scs_overlays_trampoline_lowered:
0x8: {  	[smem:$0x3FAA] =	sst s0  }
0x9: {  	[smem:$0x3FAB] =	sst s1  }
0xa: {  	[smem:$0x3FAC] =	sst s2  }
0xb: {  	[smem:$0x3FAD] =	sst s3  }
0xc: {  	[smem:$0x3FAE] =	sst s4  }
0xd: {  	[smem:$0x3FAF] =	sst s5  }
0xe: {  	[smem:$0x3FB0] =	sst s6  }
0xf: {  	[smem:$0x3FB1] =	sst s7  }
0x10: {  	[smem:$0x3FB2] =	sst s8  }
0x11: {  	[smem:$0x3FB3] =	sst s9;
	s0 =	simm.s32 @!p0 $0x0  }
0x12: {  	s1 =	sld [smem:$0x3F99];
	s0 =	simm.s32 @p0 $0x1  }
0x13: {  	[smem:$0x3FB4] =	sst s0;
	s0 =	simm.s32 @!p1 $0x0  }
0x14: {  	s2 =	sld [smem:$0x3F98];
	s0 =	simm.s32 @p1 $0x1  }
0x15: {  	[smem:$0x3FB5] =	sst s0;
	s0 =	simm.s32 @!p2 $0x0  }
0x16: {  	s3 =	sld [smem:$0x3FDB];
	s0 =	simm.s32 @p2 $0x1  }
0x17: {  	s4 =	simm.s32 $0x1BF5;
	[smem:$0x3FB7] =	sst s0  }
0x18: {  	s0 =	sld [smem:$0x3F9A];
	_ =	swait.ge [sflag:s4], $0x0  }
0x19: {  	s7 =	sld [smem:$0x3F9B]  }
0x1a: {  	s8 =	sadd.s32 $0xFFFFE003, lr  }
0x1b: {  	s9 =	sadd.s32 $0xFFFFFEF7, lr;
	s5 =	simm.s32 $0xFFFFFFFF;
	p2 =	slt.u32 s8, $0xFFFFF086  }
0x1c: {  	p1 =	slt.u32 s9, $0xF7A;
	s5 =	simm.s32 @!p2 $0x0  }
0x1d: {  	s5 =	simm.s32 @p1 $0x1;
	p0 =	seq.s32 s7, s2  }
0x1e: {  	s7 =	smul.u32 @!p0 $0xF7A, s2;
	p2 =	seq.s32 @!p0 s5, $0x0  }
0x1f: {  	s9 =	smul.u32 $0xF7A, s1;
	s8 =	simm.s32 @!p0 $0x1BF5;
	p2 =	por !p2, p0  }
0x20: {  	[sflag:s8] =	ssyncset.s32 @!p0 $0xFFFFF086;
	s6 =	sadd.s32 @!p0 s3, s7;
	s7 =	simm.s32 @!p0 $0x108  }
0x21: {  	s3 =	sadd.s32 s3, s9;
	s6 =	sadd.s32 @!p0 $0x88, s6;
	s7 =	simm.s32 @p2 $0x1082  }
0x22: {  	[simem:s7], [sflag:s8] =	dma.local @!p0 [hbm:s6], $0xF7A  }
0x23: {  	s9 =	sor.u32 $0xD0000000, s2;
	s6 =	simm.s32 $0x108;
	_ =	swait.ge @!p0 [sflag:s8], $0x0  }
0x24: {  	s3 =	sadd.s32 $0x88, s3;
	s6 =	simm.s32 @!p1 $0x1082;
	[sflag:s4] =	ssyncset.s32 $0xFFFFF086  }
0x25: {  	[simem:s6], [sflag:s4] =	dma.local [hbm:s3], $0xF7A  }
0x26: {  	[smem:$0x3F9B] =	sst s1;
	(tag) =	ssettag s2;
	_ =	strace s9  }
0x27: {  	s1 =	sld [smem:$0x3FAB]  }
0x28: {  	s2 =	sld [smem:$0x3FAC]  }
0x29: {  	s4 =	sld [smem:$0x3FAE]  }
0x2a: {  	p0 =	seq.s32 s5, $0x0;
	s5 =	sld [smem:$0x3FAF]  }
0x2b: {  	s6 =	sld [smem:$0x3FB0]  }
0x2c: {  	s7 =	sld [smem:$0x3FB1]  }
0x2d: {  	s3 =	simm.s32 $0x108;
	s8 =	sld [smem:$0x3FB2]  }
0x2e: {  	s3 =	simm.s32 @!p0 $0x1082;
	s9 =	sld [smem:$0x3FB3]  }
0x2f: {  	lr =	sadd.s32 s0, s3;
	s0 =	sld [smem:$0x3FAA]  }
0x30: {  	s3 =	sld [smem:$0x3FAD]  }
0x31: {  	[smem:$0x3FB6] =	sst s10  }
0x32: {  	s10 =	sld [smem:$0x3FB4];
	_ =	sdelay $0x3  }
0x33: {  	p0 =	seq.s32 s10, $0x1;
	s10 =	sld [smem:$0x3FB6];
	_ =	sdelay $0x3  }
0x34: {  	[smem:$0x3FB6] =	sst s10  }
0x35: {  	s10 =	sld [smem:$0x3FB5];
	_ =	sdelay $0x3  }
0x36: {  	p1 =	seq.s32 s10, $0x1;
	s10 =	sld [smem:$0x3FB6];
	_ =	sdelay $0x3  }
0x37: {  	[smem:$0x3FB6] =	sst s10  }
0x38: {  	s10 =	sld [smem:$0x3FB7]  }
0x39: {  	_ = 	snop;
	(pc) =	sbr.ind lr, $3  }
0x3a: {  	_ = 	snop  }
0x3b: {  	_ = 	snop  }
0x3c: {  	p2 =	seq.s32 s10, $0x1;
	s10 =	sld [smem:$0x3FB6]  }
0x3d: {  	_ =	shalt  }
0x3e: {  	_ =	shalt  }
0x3f: {  	_ =	shalt  }
0x40: {  	_ =	shalt  }
0x41: {  	_ =	shalt  }
0x42: {  	_ =	shalt  }
0x43: {  	_ =	shalt  }
0x44: {  	_ =	shalt  }
0x45: {  	_ =	shalt  }
0x46: {  	_ =	shalt  }
0x47: {  	_ =	shalt  }
0x48: {  	_ =	shalt  }
0x49: {  	_ =	shalt  }
0x4a: {  	_ =	shalt  }
0x4b: {  	_ =	shalt  }
0x4c: {  	_ =	shalt  }
0x4d: {  	_ =	shalt  }
0x4e: {  	_ =	shalt  }
0x4f: {  	_ =	shalt  }
0x50: {  	_ =	shalt  }
0x51: {  	_ =	shalt  }
0x52: {  	_ =	shalt  }
0x53: {  	_ =	shalt  }
0x54: {  	_ =	shalt  }
0x55: {  	_ =	shalt  }
0x56: {  	_ =	shalt  }
0x57: {  	_ =	shalt  }
0x58: {  	_ =	shalt  }
0x59: {  	_ =	shalt  }
0x5a: {  	_ =	shalt  }
0x5b: {  	_ =	shalt  }
0x5c: {  	_ =	shalt  }
0x5d: {  	_ =	shalt  }
0x5e: {  	_ =	shalt  }
0x5f: {  	_ =	shalt  }
0x60: {  	_ =	shalt  }
0x61: {  	_ =	shalt  }
0x62: {  	_ =	shalt  }
0x63: {  	_ =	shalt  }
0x64: {  	_ =	shalt  }
0x65: {  	_ =	shalt  }
0x66: {  	_ =	shalt  }
0x67: {  	_ =	shalt  }
0x68: {  	_ =	shalt  }
0x69: {  	_ =	shalt  }
0x6a: {  	_ =	shalt  }
0x6b: {  	_ =	shalt  }
0x6c: {  	_ =	shalt  }
0x6d: {  	_ =	shalt  }
0x6e: {  	_ =	shalt  }
0x6f: {  	_ =	shalt  }
0x70: {  	_ =	shalt  }
0x71: {  	_ =	shalt  }
0x72: {  	_ =	shalt  }
0x73: {  	_ =	shalt  }
0x74: {  	_ =	shalt  }
0x75: {  	_ =	shalt  }
0x76: {  	_ =	shalt  }
0x77: {  	_ =	shalt  }
0x78: {  	_ =	shalt  }
0x79: {  	_ =	shalt  }
0x7a: {  	_ =	shalt  }
0x7b: {  	_ =	shalt  }
0x7c: {  	_ =	shalt  }
0x7d: {  	_ =	shalt  }
0x7e: {  	_ =	shalt  }
0x7f: {  	_ =	shalt  }
0x80: {  	_ =	shalt  }
0x81: {  	_ =	shalt  }
0x82: {  	_ =	shalt  }
0x83: {  	_ =	shalt  }
0x84: {  	_ =	shalt  }
0x85: {  	_ =	shalt  }
0x86: {  	_ =	shalt  }
0x87: {  	_ =	shalt  }
.Lfunc_end0:
.L_simem_size_0:
called_computation.1_lowered:
.L_overlay_start_0:
0x88: {  	s2 =	sld [smem:$0x3FD9]  }
0x89: {  	s3 =	sld [smem:$0x3FFE];
	_ =	sdelay $0x1  }
0x8a: {  	s1 =	srdreg.scid  }
0x8b: {  	s0 =	sand.u32 $0x1, s1  }
0x8c: {  	s17 =	sshll.u32 s0, $0xA;
	s2 =	sadd.s32 s3, s2  }
0x8d: {  	s2 =	sadd.s32 s2, s17  }
0x8e: {  	[smem:$0x3FC2] =	sst s2  }
0x8f: {  	_ = 	snop  }
0x90: {  	s2 =	sld [smem:$0x3FD0];
	(tm) =	ssettm $0x1  }
0x91: {  	s18 =	sld [smem:$0x3FFB];
	_ =	sdelay $0x3  }
0x92: {  	_ =	strace s18  }
0x93: {  	s3 =	sld [smem:$0x3FFC];
	_ =	sdelay $0x3  }
0x94: {  	_ =	strace s3  }
0x95: {  	s3 =	sld [smem:$0x3FFD];
	_ =	sdelay $0x3  }
0x96: {  	_ =	strace s3  }
0x97: {  	_ =	strace $0x8FFFFFFF  }
0x98: {  	s19 =	sld [smem:$0x3FDB];
	_ =	sdelay $0x1  }
0x99: {  	s4 =	simm.s32 $_scs_section_size  }
0x9a: {  	s5 =	simm.s32 $_size__tile_overlayer_lowered;
	s6 =	simm.s32 $_tile_overlayer_lowered  }
0x9b: {  	s22 =	simm.s32 $0x1BFF;
	s21 =	sshll.u32 s6, $0x1;
	s3 =	sadd.s32 s4, s19  }
0x9c: {  	s7 =	simm.s32 $0x0;
	s20 =	sshll.u32 s5, $0x1;
	s5 =	sadd.s32 s21, s3  }
0x9d: {  	[timem:s7], [sflag:s22] =	dma.local [hbm:s5], s20  }
0x9e: {  	_ =	swait.ge [sflag:s22], s20  }
0x9f: {  	s4 =	ssub.s32 $0x0, s20;
	[sflag:s22] =	ssyncset.done $0x0  }
0xa0: {  	[sflag:s22] =	ssyncadd.s32 s4;
	_ =	sdelay $0x1  }
0xa1: {  	s23 =	simm.s32 $0x1B8B  }
0xa2: {  	_ =	swait.ge [sflag:s23], $0x1  }
0xa3: {  	[sflag:s23] =	ssyncset.done $0x0  }
0xa4: {  	s25 =	simm.s32 $0x1B8E;
	s24 =	sld [smem:$0x3FFE];
	[sflag:s23] =	ssyncadd.s32 $0xFFFFFFFF  }
0xa5: {  	s26 =	simm.s32 $execute0_lowered;
	[smem:$0x3FD2] =	sst s25  }
0xa6: {  	s5 =	sshll.u32 s26, $0x1;
	_ =	strace $0x80000049;
	[dreg:$0x1] =	wrdreg $0xFFFFFFFF  }
0xa7: {  	s28 =	simm.s32 $_size_execute0_lowered;
	s3 =	sadd.s32 s3, s5;
	[dreg:$0x0] =	wrdreg $0x0  }
0xa8: {  	s5 =	sshll.u32 s28, $0x1;
	[dreg:$0x2] =	wrdreg s3  }
0xa9: {  	[dreg:$0x3] =	wrdreg s5  }
0xaa: {  	[dreg:$0x4] =	wrdreg $0xC0  }
0xab: {  	_ =	task [dreg:s7], $0x5FFFF  }
0xac: {  	[dreg:$0x1] =	wrdreg $0xFFFFFFFF  }
0xad: {  	[dreg:$0x0] =	wrdreg $0x60  }
0xae: {  	[dreg:$0x2] =	wrdreg s24  }
0xaf: {  	[dreg:$0x3] =	wrdreg s2  }
0xb0: {  	[dreg:$0x4] =	wrdreg $0x67800  }
0xb1: {  	[dreg:$0x5] =	wrdreg $0x9  }
0xb2: {  	_ =	task.clear_ibuf [dreg:s7], $0x6FFFF;
	_ =	strace $0x90000049  }
0xb3: {  	s29 =	simm.s32 $0x9;
	_ =	strace $0x8000004B  }
0xb4: {  	_ =	swait.ge [sflag:s29], $0x1  }
0xb5: {  	[sflag:s29] =	ssyncadd.s32 $0xFFFFFFFF  }
0xb6: {  	_ =	strace $0x9000004B  }
0xb7: {  	_ =	sfence  }
0xb8: {  	s30 =	sld [smem:$0x0];
	_ =	sdelay $0x2  }
0xb9: {  	s31 =	sshll.u32 s1, $0xD;
	s1 =	sshrl.u32 s1, $0x2  }
0xba: {  	s3 =	sand.u32 $0x4000, s31;
	s1 =	sadd.s32 s1, s30  }
0xbb: {  	s0 =	sor.u32 s3, s0;
	s1 =	sshll.u32 s1, $0x11  }
0xbc: {  	s0 =	sor.u32 s1, s0  }
0xbd: {  	s0 =	sadd.s32 $0x8F2B, s0  }
0xbe: {  	[sflag:s0] =	ssyncadd.remote.s32 $0x1  }
0xbf: {  	_ =	sfence.sel $0xFFFF  }
0xc0: {  	[dreg:$0x0] =	wrdreg $0xFFFFFFFF;
	(pc) =	sbr.abs _section_cstart, $3  }
0xc1: {  	[dreg:$0x1] =	wrdreg $0xFFFFFFFF  }
0xc2: {  	_ =	task.clear_ibuf [dreg:s7], $0x2FFFF;
	_ =	strace $0x9FFFFFFF  }
0xc3: {  	(tm) =	ssettm $0x7FFFFFFF  }
tec
execute0_lowered:
.L_overlay_start_1:
0x0: {  	(tag) =	ssettag $0x1  }
0x1: {  	s5 =	rddreg [dreg:$0x0]  }
0x2: {  	s0 =	srdreg.scid;
	s7 =	rddreg [dreg:$0x1]  }
0x3: {  	s2 =	rddreg [dreg:$0x2];
	s3 =	simm.s32 $0x0;
	s14 =	simm.s32 $0x50  }
0x4: {  	s15 =	simm.s32 $0x1A380;
	s16 =	simm.s32 $0x1CB80;
	s17 =	simm.s32 $0x1  }
0x5: {  	s18 =	simm.s32 $0x2;
	s19 =	simm.s32 $0x6480;
	s20 =	simm.s32 $0x6500  }
0x6: {  	s21 =	simm.s32 $0x6580;
	s6 =	sand.u32 $0x1, s0;
	s0 =	stileid.u32  }
0x7: {  	s22 =	simm.s32 $0x0;
	[smem:$0x7FF] =	sst s3;
	s10 =	smul.u32 $0x13C00, s0  }
0x8: {  	s4 =	sadd.s32 $0x33800, s5;
	s1 =	sshll.u32 s6, $0x4;
	s11 =	smul.u32 $0x13C000, s6  }
0x9: {  	s6 =	ssub.s32 $0x2, s6;
	s13 =	smul.u32 $0x4F000, s0;
	s31 =	sshll.u32 s0, $0x6  }
0xa: {  	s8 =	sor.u32 s0, s1;
	s1 =	rddreg [dreg:$0x3];
	_ =	strace $0x8000004A  }
0xb: {  	s28 =	sshrl.u32 s6, $0x1;
	s9 =	smul.u32 $0x4E2, s8;
	s12 =	sshrl.u32 s10, $0x3  }
0xc: {  	s10 =	sadd.s32 s10, s11;
	s11 =	ssub.s32 s6, s28;
	s29 =	sshll.u32 s8, $0xB  }
0xd: {  	s30 =	sshrl.u32 s13, $0x2;
	s12 =	sadd.s32 s12, s5;
	s10 =	sshrl.u32 s10, $0x3  }
0xe: {  	s6 =	sadd.s32 s7, s29;
	s13 =	sadd.s32 s30, s2;
	s9 =	sadd.s32 s9, s5  }
0xf: {  	s10 =	sadd.s32 s10, s5;
	s7 =	sadd.s32 $0xC000, s12;
	s12 =	sor.u32 $0x1C03, s31  }
0x10: {  	s13 =	sshrl.u32 s13, $0x3;
	s5 =	sadd.s32 $0x1C00, s9;
	s8 =	sadd.s32 $0x5AA00, s10  }
0x11: {  	s9 =	smax.u32 s11, $0x1;
	s10 =	simm.s32 $0x3;
	s11 =	simm.s32 $0x2780  }
.LBB2_1:
0x12: {  	[tilespmem:s3], [sflag:$0x3] =	stream.linear.gather [hbm4b:s5+s3], $0x2710, $0x38;
	[tilespmem:$0x1F380] =	vst v63  }
0x13: {  	_ =	swait.ge [sflag:s10], $0x2710  }
0x14: {  	[sflag:s10] =	ssyncset.done $0x0  }
0x15: {  	[sflag:s10] =	ssyncadd.s32 $0xFFFFD8F0  }
0x16: {  	[tilespmem:s11], [sflag:$0x3] =	stream.linear.gather [hbm4b:s6+s3], $0x3E80, $0x38;
	[tilespmem:$0x1F380] =	vst v63  }
0x17: {  	_ =	swait.ge [sflag:s10], $0x3E80  }
0x18: {  	[sflag:s10] =	ssyncset.done $0x0  }
0x19: {  	[sflag:s10] =	ssyncadd.s32 $0xFFFFC180  }
0x1a: {  	[spmem:s13], [sflag:s12] =	dma.local [hbm:s7], $0x2780  }
0x1b: {  	_ =	swait.ge [sflag:s10], $0x2780  }
0x1c: {  	[sflag:s10] =	ssyncset.done $0x0  }
0x1d: {  	[sflag:s10] =	ssyncadd.s32 $0xFFFFD880  }
0x1e: {  	[bflag:$0x0] =	sbarrier.arrive $0xFFFF  }
0x1f: {  	[tilespmem:s15], [sflag:$0x1] =	stream.indirect.gather [hbm4b:s4+s14], $0x80, s3, s14, $0xb8;
	[tilespmem:$0x1F380] =	vst v63  }
0x20: {  	_ = 	snop  }
0x21: {  	[tilespmem:s16], [sflag:$0x2] =	stream.indirect.gather [hbm4b:s4+s14], $0x80, s14, s14, $0xb8;
	[tilespmem:$0x1F380] =	vst v63  }
0x22: {  	_ =	swait.ge [sflag:s17], $0x2800  }
0x23: {  	[sflag:s17] =	ssyncset.done $0x0  }
0x24: {  	s23 =	simm.s32 $0x2780;
	[sflag:s17] =	ssyncadd.s32 $0xFFFFD800  }
0x25: {  	[spmem:s2] =	stream.indirect.scatter.add.f32 [tilespmem:s15], [sflag:$0x3], $0x80, s23, s14, $0xb8;
	[tilespmem:$0x1F380] =	vst v63  }
0x26: {  	_ =	swait.ge [sflag:s10], $0x2800  }
0x27: {  	[sflag:s10] =	ssyncset.done $0x0  }
0x28: {  	s30 =	simm.s32 $0xA0;
	[sflag:s10] =	ssyncadd.s32 $0xFFFFD800  }
0x29: {  	[tilespmem:s15], [sflag:$0x1] =	stream.indirect.gather [hbm4b:s4+s14], $0x80, s30, s14, $0xb8;
	[tilespmem:$0x1F380] =	vst v63  }
0x2a: {  	_ =	swait.ge [sflag:s18], $0x2800  }
0x2b: {  	[sflag:s18] =	ssyncset.done $0x0  }
0x2c: {  	s31 =	simm.s32 $0x2800;
	[sflag:s18] =	ssyncadd.s32 $0xFFFFD800  }
0x2d: {  	[spmem:s2] =	stream.indirect.scatter.add.f32 [tilespmem:s16], [sflag:$0x3], $0x80, s31, s14, $0xb8;
	[tilespmem:$0x1F380] =	vst v63  }
0x2e: {  	_ =	swait.ge [sflag:s10], $0x2800  }
0x2f: {  	s24 =	simm.s32 $0x400;
	[sflag:s10] =	ssyncset.done $0x0  }
0x30: {  	s25 =	simm.s32 $0xF0;
	s23 =	simm.s32 $0x140;
	[sflag:s10] =	ssyncadd.s32 $0xFFFFD800  }
.LBB2_2:
0x31: {  	[tilespmem:s16], [sflag:$0x2] =	stream.indirect.gather [hbm4b:s4+s14], $0x80, s25, s14, $0xb8;
	[tilespmem:$0x1F380] =	vst v63  }
0x32: {  	s25 =	smov.u32 s24  }
0x33: {  	p0 =	sne.s32 s24, $0xF000;
	s24 =	sadd.s32 $0x400, s24;
	_ =	swait.ge [sflag:s17], $0x2800  }
0x34: {  	s25 =	sshra.s32 s25, $0x2;
	[sflag:s17] =	ssyncset.done $0x0  }
0x35: {  	s26 =	sadd.s32 $0x2780, s25;
	[sflag:s17] =	ssyncadd.s32 $0xFFFFD800  }
0x36: {  	[spmem:s2] =	stream.indirect.scatter.add.f32 [tilespmem:s15], [sflag:$0x3], $0x80, s26, s14, $0xb8;
	[tilespmem:$0x1F380] =	vst v63  }
0x37: {  	_ =	swait.ge [sflag:s10], $0x2800  }
0x38: {  	[sflag:s10] =	ssyncset.done $0x0  }
0x39: {  	[sflag:s10] =	ssyncadd.s32 $0xFFFFD800  }
0x3a: {  	[tilespmem:s15], [sflag:$0x1] =	stream.indirect.gather [hbm4b:s4+s14], $0x80, s23, s14, $0xb8;
	[tilespmem:$0x1F380] =	vst v63  }
0x3b: {  	_ =	swait.ge [sflag:s18], $0x2800  }
0x3c: {  	[sflag:s18] =	ssyncset.done $0x0  }
.Ltmp0:
0x3d: {  	s25 =	sadd.s32 $0x2800, s25;
	[sflag:s18] =	ssyncadd.s32 $0xFFFFD800;
	(pc) =	sbr.rel @p0 .LBB2_2-.Ltmp0, $4  }
0x3e: {  	[spmem:s2] =	stream.indirect.scatter.add.f32 [tilespmem:s16], [sflag:$0x3], $0x80, s25, s14, $0xb8;
	[tilespmem:$0x1F380] =	vst v63  }
0x3f: {  	_ =	swait.ge [sflag:s10], $0x2800  }
0x40: {  	[sflag:s10] =	ssyncset.done $0x0  }
0x41: {  	s25 =	sadd.s32 $0x50, s23;
	s23 =	sadd.s32 $0xA0, s23;
	[sflag:s10] =	ssyncadd.s32 $0xFFFFD800  }
0x42: {  	[tilespmem:s16], [sflag:$0x2] =	stream.indirect.gather [hbm4b:s4+s14], $0x80, s25, s14, $0xb8;
	[tilespmem:$0x1F380] =	vst v63  }
0x43: {  	_ =	swait.ge [sflag:s17], $0x2800  }
0x44: {  	[sflag:s17] =	ssyncset.done $0x0  }
0x45: {  	[sflag:s17] =	ssyncadd.s32 $0xFFFFD800  }
0x46: {  	[spmem:s2] =	stream.indirect.scatter.add.f32 [tilespmem:s15], [sflag:$0x3], $0x80, s19, s14, $0xb8;
	[tilespmem:$0x1F380] =	vst v63  }
0x47: {  	_ =	swait.ge [sflag:s10], $0x2800  }
0x48: {  	[sflag:s10] =	ssyncset.done $0x0  }
0x49: {  	[sflag:s10] =	ssyncadd.s32 $0xFFFFD800  }
0x4a: {  	[tilespmem:s15], [sflag:$0x1] =	stream.indirect.gather [hbm4b:s4+s14], $0x80, s23, s14, $0xb8;
	[tilespmem:$0x1F380] =	vst v63  }
0x4b: {  	_ =	swait.ge [sflag:s18], $0x2800  }
0x4c: {  	[sflag:s18] =	ssyncset.done $0x0  }
0x4d: {  	[sflag:s18] =	ssyncadd.s32 $0xFFFFD800  }
0x4e: {  	[spmem:s2] =	stream.indirect.scatter.add.f32 [tilespmem:s16], [sflag:$0x3], $0x80, s20, s14, $0xb8;
	[tilespmem:$0x1F380] =	vst v63  }
0x4f: {  	_ =	swait.ge [sflag:s10], $0x2800  }
0x50: {  	[sflag:s10] =	ssyncset.done $0x0  }
0x51: {  	[sflag:s10] =	ssyncadd.s32 $0xFFFFD800  }
0x52: {  	_ =	swait.ge [sflag:s17], $0x2800  }
0x53: {  	[sflag:s17] =	ssyncset.done $0x0  }
0x54: {  	[sflag:s17] =	ssyncadd.s32 $0xFFFFD800  }
0x55: {  	[spmem:s2] =	stream.indirect.scatter.add.f32 [tilespmem:s15], [sflag:$0x3], $0x80, s21, s14, $0xb8;
	[tilespmem:$0x1F380] =	vst v63  }
0x56: {  	_ =	swait.ge [sflag:s10], $0x2800  }
0x57: {  	s22 =	sadd.s32 $0x1, s22;
	[sflag:s10] =	ssyncset.done $0x0  }
0x58: {  	p0 =	sne.s32 s22, s9;
	[sflag:s10] =	ssyncadd.s32 $0xFFFFD800  }
.Ltmp1:
0x59: {  	[bflag:$0x0] =	sbarrier.arrive $0xFFFF;
	(pc) =	sbr.rel @p0 .LBB2_1-.Ltmp1, $4  }
0x5a: {  	[hbm:s8], [sflag:s12] =	dma.local [spmem:s13], $0x2780  }
0x5b: {  	_ =	swait.ge [sflag:s10], $0x2780  }
0x5c: {  	[sflag:s10] =	ssyncset.done $0x0  }
0x5d: {  	[sflag:s10] =	ssyncadd.s32 $0xFFFFD880  }
0x5e: {  	_ =	sfence.sel $0x180000  }
0x5f: {  	[bflag:$0x0] =	sbarrier.arrive $0xFFFF  }
0x60: {  	p0 =	sne.s32 s0, $0x0;
	_ =	strace $0x9000004A  }
0x61: {  	s0 =	sadd.s32 @!p0 $0x100000, s1;
	[bflag:$0x2] =	sbarrier.arrive $0xFFFF  }
0x62: {  	[sflag:s0] =	ssyncadd.tile.s32 @!p0 $0x1;
	_ =	shalt  }
.Lfunc_end2:
_tile_overlayer_lowered:
.L_overlay_start_2:
0x63: {  	(tag) =	ssettag $0x2  }
0x64: {  	s0 =	rddreg [dreg:$0x0];
	s2 =	stileid.u32  }
0x65: {  	s1 =	rddreg [dreg:$0x1];
	p0 =	sne.s32 s2, $0x0  }
0x66: {  	s3 =	rddreg [dreg:$0x2];
	[bflag:$0x3] =	sbarrier.arrive $0xFFFF;
	s2 =	simm.s32 @!p0 $0x1C03  }
0x67: {  	[timem:s3], [sflag:s2] =	dma.local @!p0 [hbm:s0], s1  }
0x68: {  	s0 =	simm.s32 @!p0 $0x3  }
0x69: {  	_ =	swait.ge @!p0 [sflag:s0], s1  }
0x6a: {  	s1 =	ssub.s32 @!p0 $0x0, s1;
	[sflag:s0] =	ssyncset.done @!p0 $0x0  }
0x6b: {  	[sflag:s0] =	ssyncadd.s32 @!p0 s1  }
0x6c: {  	[bflag:$0x3] =	sbarrier.arrive $0xFFFF  }
0x6d: {  	_ =	shalt  }

// kernel: kernel.14.cloned.1.call-start
scs
__scs_entry_jumppad:
0x0: {  	(pc) =	sbr.rel $0x88, $3  }
0x1: {  	(tag) =	ssettag $0x0;
	lr =	simm.s32 $0x1  }
0x2: {  	[smem:$0x3F9B] =	sst lr;
	_ =	strace $0xD0000000  }
0x3: {  	_ = 	snop  }
0x4: {  	_ = 	snop  }
0x5: {  	_ = 	snop  }
0x6: {  	_ = 	snop  }
0x7: {  	_ = 	snop  }
__scs_overlays_trampoline_lowered:
0x8: {  	[smem:$0x3FAA] =	sst s0  }
0x9: {  	[smem:$0x3FAB] =	sst s1  }
0xa: {  	[smem:$0x3FAC] =	sst s2  }
0xb: {  	[smem:$0x3FAD] =	sst s3  }
0xc: {  	[smem:$0x3FAE] =	sst s4  }
0xd: {  	[smem:$0x3FAF] =	sst s5  }
0xe: {  	[smem:$0x3FB0] =	sst s6  }
0xf: {  	[smem:$0x3FB1] =	sst s7  }
0x10: {  	[smem:$0x3FB2] =	sst s8  }
0x11: {  	[smem:$0x3FB3] =	sst s9;
	s0 =	simm.s32 @!p0 $0x0  }
0x12: {  	s1 =	sld [smem:$0x3F99];
	s0 =	simm.s32 @p0 $0x1  }
0x13: {  	[smem:$0x3FB4] =	sst s0;
	s0 =	simm.s32 @!p1 $0x0  }
0x14: {  	s2 =	sld [smem:$0x3F98];
	s0 =	simm.s32 @p1 $0x1  }
0x15: {  	[smem:$0x3FB5] =	sst s0;
	s0 =	simm.s32 @!p2 $0x0  }
0x16: {  	s3 =	sld [smem:$0x3FDB];
	s0 =	simm.s32 @p2 $0x1  }
0x17: {  	s4 =	simm.s32 $0x1BF5;
	[smem:$0x3FB7] =	sst s0  }
0x18: {  	s0 =	sld [smem:$0x3F9A];
	_ =	swait.ge [sflag:s4], $0x0  }
0x19: {  	s7 =	sld [smem:$0x3F9B]  }
0x1a: {  	s8 =	sadd.s32 $0xFFFFE003, lr  }
0x1b: {  	s9 =	sadd.s32 $0xFFFFFEF7, lr;
	s5 =	simm.s32 $0xFFFFFFFF;
	p2 =	slt.u32 s8, $0xFFFFF086  }
0x1c: {  	p1 =	slt.u32 s9, $0xF7A;
	s5 =	simm.s32 @!p2 $0x0  }
0x1d: {  	s5 =	simm.s32 @p1 $0x1;
	p0 =	seq.s32 s7, s2  }
0x1e: {  	s7 =	smul.u32 @!p0 $0xF7A, s2;
	p2 =	seq.s32 @!p0 s5, $0x0  }
0x1f: {  	s9 =	smul.u32 $0xF7A, s1;
	s8 =	simm.s32 @!p0 $0x1BF5;
	p2 =	por !p2, p0  }
0x20: {  	[sflag:s8] =	ssyncset.s32 @!p0 $0xFFFFF086;
	s6 =	sadd.s32 @!p0 s3, s7;
	s7 =	simm.s32 @!p0 $0x108  }
0x21: {  	s3 =	sadd.s32 s3, s9;
	s6 =	sadd.s32 @!p0 $0x88, s6;
	s7 =	simm.s32 @p2 $0x1082  }
0x22: {  	[simem:s7], [sflag:s8] =	dma.local @!p0 [hbm:s6], $0xF7A  }
0x23: {  	s9 =	sor.u32 $0xD0000000, s2;
	s6 =	simm.s32 $0x108;
	_ =	swait.ge @!p0 [sflag:s8], $0x0  }
0x24: {  	s3 =	sadd.s32 $0x88, s3;
	s6 =	simm.s32 @!p1 $0x1082;
	[sflag:s4] =	ssyncset.s32 $0xFFFFF086  }
0x25: {  	[simem:s6], [sflag:s4] =	dma.local [hbm:s3], $0xF7A  }
0x26: {  	[smem:$0x3F9B] =	sst s1;
	(tag) =	ssettag s2;
	_ =	strace s9  }
0x27: {  	s1 =	sld [smem:$0x3FAB]  }
0x28: {  	s2 =	sld [smem:$0x3FAC]  }
0x29: {  	s4 =	sld [smem:$0x3FAE]  }
0x2a: {  	p0 =	seq.s32 s5, $0x0;
	s5 =	sld [smem:$0x3FAF]  }
0x2b: {  	s6 =	sld [smem:$0x3FB0]  }
0x2c: {  	s7 =	sld [smem:$0x3FB1]  }
0x2d: {  	s3 =	simm.s32 $0x108;
	s8 =	sld [smem:$0x3FB2]  }
0x2e: {  	s3 =	simm.s32 @!p0 $0x1082;
	s9 =	sld [smem:$0x3FB3]  }
0x2f: {  	lr =	sadd.s32 s0, s3;
	s0 =	sld [smem:$0x3FAA]  }
0x30: {  	s3 =	sld [smem:$0x3FAD]  }
0x31: {  	[smem:$0x3FB6] =	sst s10  }
0x32: {  	s10 =	sld [smem:$0x3FB4];
	_ =	sdelay $0x3  }
0x33: {  	p0 =	seq.s32 s10, $0x1;
	s10 =	sld [smem:$0x3FB6];
	_ =	sdelay $0x3  }
0x34: {  	[smem:$0x3FB6] =	sst s10  }
0x35: {  	s10 =	sld [smem:$0x3FB5];
	_ =	sdelay $0x3  }
0x36: {  	p1 =	seq.s32 s10, $0x1;
	s10 =	sld [smem:$0x3FB6];
	_ =	sdelay $0x3  }
0x37: {  	[smem:$0x3FB6] =	sst s10  }
0x38: {  	s10 =	sld [smem:$0x3FB7]  }
0x39: {  	_ = 	snop;
	(pc) =	sbr.ind lr, $3  }
0x3a: {  	_ = 	snop  }
0x3b: {  	_ = 	snop  }
0x3c: {  	p2 =	seq.s32 s10, $0x1;
	s10 =	sld [smem:$0x3FB6]  }
0x3d: {  	_ =	shalt  }
0x3e: {  	_ =	shalt  }
0x3f: {  	_ =	shalt  }
0x40: {  	_ =	shalt  }
0x41: {  	_ =	shalt  }
0x42: {  	_ =	shalt  }
0x43: {  	_ =	shalt  }
0x44: {  	_ =	shalt  }
0x45: {  	_ =	shalt  }
0x46: {  	_ =	shalt  }
0x47: {  	_ =	shalt  }
0x48: {  	_ =	shalt  }
0x49: {  	_ =	shalt  }
0x4a: {  	_ =	shalt  }
0x4b: {  	_ =	shalt  }
0x4c: {  	_ =	shalt  }
0x4d: {  	_ =	shalt  }
0x4e: {  	_ =	shalt  }
0x4f: {  	_ =	shalt  }
0x50: {  	_ =	shalt  }
0x51: {  	_ =	shalt  }
0x52: {  	_ =	shalt  }
0x53: {  	_ =	shalt  }
0x54: {  	_ =	shalt  }
0x55: {  	_ =	shalt  }
0x56: {  	_ =	shalt  }
0x57: {  	_ =	shalt  }
0x58: {  	_ =	shalt  }
0x59: {  	_ =	shalt  }
0x5a: {  	_ =	shalt  }
0x5b: {  	_ =	shalt  }
0x5c: {  	_ =	shalt  }
0x5d: {  	_ =	shalt  }
0x5e: {  	_ =	shalt  }
0x5f: {  	_ =	shalt  }
0x60: {  	_ =	shalt  }
0x61: {  	_ =	shalt  }
0x62: {  	_ =	shalt  }
0x63: {  	_ =	shalt  }
0x64: {  	_ =	shalt  }
0x65: {  	_ =	shalt  }
0x66: {  	_ =	shalt  }
0x67: {  	_ =	shalt  }
0x68: {  	_ =	shalt  }
0x69: {  	_ =	shalt  }
0x6a: {  	_ =	shalt  }
0x6b: {  	_ =	shalt  }
0x6c: {  	_ =	shalt  }
0x6d: {  	_ =	shalt  }
0x6e: {  	_ =	shalt  }
0x6f: {  	_ =	shalt  }
0x70: {  	_ =	shalt  }
0x71: {  	_ =	shalt  }
0x72: {  	_ =	shalt  }
0x73: {  	_ =	shalt  }
0x74: {  	_ =	shalt  }
0x75: {  	_ =	shalt  }
0x76: {  	_ =	shalt  }
0x77: {  	_ =	shalt  }
0x78: {  	_ =	shalt  }
0x79: {  	_ =	shalt  }
0x7a: {  	_ =	shalt  }
0x7b: {  	_ =	shalt  }
0x7c: {  	_ =	shalt  }
0x7d: {  	_ =	shalt  }
0x7e: {  	_ =	shalt  }
0x7f: {  	_ =	shalt  }
0x80: {  	_ =	shalt  }
0x81: {  	_ =	shalt  }
0x82: {  	_ =	shalt  }
0x83: {  	_ =	shalt  }
0x84: {  	_ =	shalt  }
0x85: {  	_ =	shalt  }
0x86: {  	_ =	shalt  }
0x87: {  	_ =	shalt  }
.Lfunc_end0:
.L_simem_size_0:
called_computation.2_lowered:
.L_overlay_start_0:
0x88: {  	s2 =	sld [smem:$0x3FD9]  }
0x89: {  	s3 =	sld [smem:$0x3FFE];
	_ =	sdelay $0x1  }
0x8a: {  	s1 =	srdreg.scid  }
0x8b: {  	s0 =	sand.u32 $0x1, s1  }
0x8c: {  	s17 =	sshll.u32 s0, $0xA;
	s2 =	sadd.s32 s3, s2  }
0x8d: {  	s2 =	sadd.s32 s2, s17  }
0x8e: {  	[smem:$0x3FC2] =	sst s2  }
0x8f: {  	_ = 	snop  }
0x90: {  	s2 =	sld [smem:$0x3FD0];
	(tm) =	ssettm $0x1  }
0x91: {  	s18 =	sld [smem:$0x3FFB];
	_ =	sdelay $0x3  }
0x92: {  	_ =	strace s18  }
0x93: {  	s3 =	sld [smem:$0x3FFC];
	_ =	sdelay $0x3  }
0x94: {  	_ =	strace s3  }
0x95: {  	s3 =	sld [smem:$0x3FFD];
	_ =	sdelay $0x3  }
0x96: {  	_ =	strace s3  }
0x97: {  	_ =	strace $0x8FFFFFFF  }
0x98: {  	s19 =	sld [smem:$0x3FDB];
	_ =	sdelay $0x1  }
0x99: {  	s4 =	simm.s32 $_scs_section_size  }
0x9a: {  	s5 =	simm.s32 $_size__tile_overlayer_lowered;
	s6 =	simm.s32 $_tile_overlayer_lowered  }
0x9b: {  	s22 =	simm.s32 $0x1BFF;
	s21 =	sshll.u32 s6, $0x1;
	s3 =	sadd.s32 s4, s19  }
0x9c: {  	s7 =	simm.s32 $0x0;
	s20 =	sshll.u32 s5, $0x1;
	s5 =	sadd.s32 s21, s3  }
0x9d: {  	[timem:s7], [sflag:s22] =	dma.local [hbm:s5], s20  }
0x9e: {  	_ =	swait.ge [sflag:s22], s20  }
0x9f: {  	s4 =	ssub.s32 $0x0, s20;
	[sflag:s22] =	ssyncset.done $0x0  }
0xa0: {  	[sflag:s22] =	ssyncadd.s32 s4;
	_ =	sdelay $0x1  }
0xa1: {  	s23 =	simm.s32 $0x1B8B  }
0xa2: {  	_ =	swait.ge [sflag:s23], $0x1  }
0xa3: {  	[sflag:s23] =	ssyncset.done $0x0  }
0xa4: {  	s25 =	simm.s32 $0x1B8E;
	s24 =	sld [smem:$0x3FFE];
	[sflag:s23] =	ssyncadd.s32 $0xFFFFFFFF  }
0xa5: {  	s26 =	simm.s32 $execute0_lowered;
	[smem:$0x3FD2] =	sst s25  }
0xa6: {  	s5 =	sshll.u32 s26, $0x1;
	_ =	strace $0x8000004C;
	[dreg:$0x1] =	wrdreg $0xFFFFFFFF  }
0xa7: {  	s28 =	simm.s32 $_size_execute0_lowered;
	s3 =	sadd.s32 s3, s5;
	[dreg:$0x0] =	wrdreg $0x0  }
0xa8: {  	s5 =	sshll.u32 s28, $0x1;
	[dreg:$0x2] =	wrdreg s3  }
0xa9: {  	[dreg:$0x3] =	wrdreg s5  }
0xaa: {  	[dreg:$0x4] =	wrdreg $0xC0  }
0xab: {  	_ =	task [dreg:s7], $0x5FFFF  }
0xac: {  	[dreg:$0x1] =	wrdreg $0xFFFFFFFF  }
0xad: {  	[dreg:$0x0] =	wrdreg $0x60  }
0xae: {  	[dreg:$0x2] =	wrdreg s24  }
0xaf: {  	[dreg:$0x3] =	wrdreg s2  }
0xb0: {  	[dreg:$0x4] =	wrdreg $0x67800  }
0xb1: {  	[dreg:$0x5] =	wrdreg $0x9  }
0xb2: {  	_ =	task.clear_ibuf [dreg:s7], $0x6FFFF;
	_ =	strace $0x9000004C  }
0xb3: {  	s29 =	simm.s32 $0x9;
	_ =	strace $0x8000004E  }
0xb4: {  	_ =	swait.ge [sflag:s29], $0x1  }
0xb5: {  	[sflag:s29] =	ssyncadd.s32 $0xFFFFFFFF  }
0xb6: {  	_ =	strace $0x9000004E  }
0xb7: {  	_ =	sfence  }
0xb8: {  	s30 =	sld [smem:$0x0];
	_ =	sdelay $0x2  }
0xb9: {  	s31 =	sshll.u32 s1, $0xD;
	s1 =	sshrl.u32 s1, $0x2  }
0xba: {  	s3 =	sand.u32 $0x4000, s31;
	s1 =	sadd.s32 s1, s30  }
0xbb: {  	s0 =	sor.u32 s3, s0;
	s1 =	sshll.u32 s1, $0x11  }
0xbc: {  	s0 =	sor.u32 s1, s0  }
0xbd: {  	s0 =	sadd.s32 $0x8F2B, s0  }
0xbe: {  	[sflag:s0] =	ssyncadd.remote.s32 $0x1  }
0xbf: {  	_ =	sfence.sel $0xFFFF  }
0xc0: {  	[dreg:$0x0] =	wrdreg $0xFFFFFFFF;
	(pc) =	sbr.abs _section_cstart, $3  }
0xc1: {  	[dreg:$0x1] =	wrdreg $0xFFFFFFFF  }
0xc2: {  	_ =	task.clear_ibuf [dreg:s7], $0x2FFFF;
	_ =	strace $0x9FFFFFFF  }
0xc3: {  	(tm) =	ssettm $0x7FFFFFFF  }
tec
execute0_lowered:
.L_overlay_start_1:
0x0: {  	(tag) =	ssettag $0x1  }
0x1: {  	s5 =	rddreg [dreg:$0x0]  }
0x2: {  	s0 =	srdreg.scid;
	s7 =	rddreg [dreg:$0x1]  }
0x3: {  	s2 =	rddreg [dreg:$0x2];
	s3 =	simm.s32 $0x0;
	s14 =	simm.s32 $0x50  }
0x4: {  	s15 =	simm.s32 $0x1A380;
	s16 =	simm.s32 $0x1CB80;
	s17 =	simm.s32 $0x1  }
0x5: {  	s18 =	simm.s32 $0x2;
	s19 =	simm.s32 $0x6480;
	s20 =	simm.s32 $0x6500  }
0x6: {  	s21 =	simm.s32 $0x6580;
	s6 =	sand.u32 $0x1, s0;
	s0 =	stileid.u32  }
0x7: {  	s22 =	simm.s32 $0x0;
	[smem:$0x7FF] =	sst s3;
	s10 =	smul.u32 $0x13C00, s0  }
0x8: {  	s4 =	sadd.s32 $0x33800, s5;
	s1 =	sshll.u32 s6, $0x4;
	s11 =	smul.u32 $0x13C000, s6  }
0x9: {  	s6 =	ssub.s32 $0x2, s6;
	s13 =	smul.u32 $0x4F000, s0;
	s31 =	sshll.u32 s0, $0x6  }
0xa: {  	s8 =	sor.u32 s0, s1;
	s1 =	rddreg [dreg:$0x3];
	_ =	strace $0x8000004D  }
0xb: {  	s28 =	sshrl.u32 s6, $0x1;
	s9 =	smul.u32 $0x4E2, s8;
	s12 =	sshrl.u32 s10, $0x3  }
0xc: {  	s10 =	sadd.s32 s10, s11;
	s11 =	ssub.s32 s6, s28;
	s29 =	sshll.u32 s8, $0xB  }
0xd: {  	s30 =	sshrl.u32 s13, $0x2;
	s12 =	sadd.s32 s12, s5;
	s10 =	sshrl.u32 s10, $0x3  }
0xe: {  	s6 =	sadd.s32 s7, s29;
	s13 =	sadd.s32 s30, s2;
	s9 =	sadd.s32 s9, s5  }
0xf: {  	s10 =	sadd.s32 s10, s5;
	s7 =	sadd.s32 $0xC000, s12;
	s12 =	sor.u32 $0x1C03, s31  }
0x10: {  	s13 =	sshrl.u32 s13, $0x3;
	s5 =	sadd.s32 $0x1C00, s9;
	s8 =	sadd.s32 $0x5AA00, s10  }
0x11: {  	s9 =	smax.u32 s11, $0x1;
	s10 =	simm.s32 $0x3;
	s11 =	simm.s32 $0x2780  }
.LBB2_1:
0x12: {  	[tilespmem:s3], [sflag:$0x3] =	stream.linear.gather [hbm4b:s5+s3], $0x2710, $0x38;
	[tilespmem:$0x1F380] =	vst v63  }
0x13: {  	_ =	swait.ge [sflag:s10], $0x2710  }
0x14: {  	[sflag:s10] =	ssyncset.done $0x0  }
0x15: {  	[sflag:s10] =	ssyncadd.s32 $0xFFFFD8F0  }
0x16: {  	[tilespmem:s11], [sflag:$0x3] =	stream.linear.gather [hbm4b:s6+s3], $0x3E80, $0x38;
	[tilespmem:$0x1F380] =	vst v63  }
0x17: {  	_ =	swait.ge [sflag:s10], $0x3E80  }
0x18: {  	[sflag:s10] =	ssyncset.done $0x0  }
0x19: {  	[sflag:s10] =	ssyncadd.s32 $0xFFFFC180  }
0x1a: {  	[spmem:s13], [sflag:s12] =	dma.local [hbm:s7], $0x2780  }
0x1b: {  	_ =	swait.ge [sflag:s10], $0x2780  }
0x1c: {  	[sflag:s10] =	ssyncset.done $0x0  }
0x1d: {  	[sflag:s10] =	ssyncadd.s32 $0xFFFFD880  }
0x1e: {  	[bflag:$0x0] =	sbarrier.arrive $0xFFFF  }
0x1f: {  	[tilespmem:s15], [sflag:$0x1] =	stream.indirect.gather [hbm4b:s4+s14], $0x80, s3, s14, $0xb8;
	[tilespmem:$0x1F380] =	vst v63  }
0x20: {  	_ = 	snop  }
0x21: {  	[tilespmem:s16], [sflag:$0x2] =	stream.indirect.gather [hbm4b:s4+s14], $0x80, s14, s14, $0xb8;
	[tilespmem:$0x1F380] =	vst v63  }
0x22: {  	_ =	swait.ge [sflag:s17], $0x2800  }
0x23: {  	[sflag:s17] =	ssyncset.done $0x0  }
0x24: {  	s23 =	simm.s32 $0x2780;
	[sflag:s17] =	ssyncadd.s32 $0xFFFFD800  }
0x25: {  	[spmem:s2] =	stream.indirect.scatter.add.f32 [tilespmem:s15], [sflag:$0x3], $0x80, s23, s14, $0xb8;
	[tilespmem:$0x1F380] =	vst v63  }
0x26: {  	_ =	swait.ge [sflag:s10], $0x2800  }
0x27: {  	[sflag:s10] =	ssyncset.done $0x0  }
0x28: {  	s30 =	simm.s32 $0xA0;
	[sflag:s10] =	ssyncadd.s32 $0xFFFFD800  }
0x29: {  	[tilespmem:s15], [sflag:$0x1] =	stream.indirect.gather [hbm4b:s4+s14], $0x80, s30, s14, $0xb8;
	[tilespmem:$0x1F380] =	vst v63  }
0x2a: {  	_ =	swait.ge [sflag:s18], $0x2800  }
0x2b: {  	[sflag:s18] =	ssyncset.done $0x0  }
0x2c: {  	s31 =	simm.s32 $0x2800;
	[sflag:s18] =	ssyncadd.s32 $0xFFFFD800  }
0x2d: {  	[spmem:s2] =	stream.indirect.scatter.add.f32 [tilespmem:s16], [sflag:$0x3], $0x80, s31, s14, $0xb8;
	[tilespmem:$0x1F380] =	vst v63  }
0x2e: {  	_ =	swait.ge [sflag:s10], $0x2800  }
0x2f: {  	s24 =	simm.s32 $0x400;
	[sflag:s10] =	ssyncset.done $0x0  }
0x30: {  	s25 =	simm.s32 $0xF0;
	s23 =	simm.s32 $0x140;
	[sflag:s10] =	ssyncadd.s32 $0xFFFFD800  }
.LBB2_2:
0x31: {  	[tilespmem:s16], [sflag:$0x2] =	stream.indirect.gather [hbm4b:s4+s14], $0x80, s25, s14, $0xb8;
	[tilespmem:$0x1F380] =	vst v63  }
0x32: {  	s25 =	smov.u32 s24  }
0x33: {  	p0 =	sne.s32 s24, $0xF000;
	s24 =	sadd.s32 $0x400, s24;
	_ =	swait.ge [sflag:s17], $0x2800  }
0x34: {  	s25 =	sshra.s32 s25, $0x2;
	[sflag:s17] =	ssyncset.done $0x0  }
0x35: {  	s26 =	sadd.s32 $0x2780, s25;
	[sflag:s17] =	ssyncadd.s32 $0xFFFFD800  }
0x36: {  	[spmem:s2] =	stream.indirect.scatter.add.f32 [tilespmem:s15], [sflag:$0x3], $0x80, s26, s14, $0xb8;
	[tilespmem:$0x1F380] =	vst v63  }
0x37: {  	_ =	swait.ge [sflag:s10], $0x2800  }
0x38: {  	[sflag:s10] =	ssyncset.done $0x0  }
0x39: {  	[sflag:s10] =	ssyncadd.s32 $0xFFFFD800  }
0x3a: {  	[tilespmem:s15], [sflag:$0x1] =	stream.indirect.gather [hbm4b:s4+s14], $0x80, s23, s14, $0xb8;
	[tilespmem:$0x1F380] =	vst v63  }
0x3b: {  	_ =	swait.ge [sflag:s18], $0x2800  }
0x3c: {  	[sflag:s18] =	ssyncset.done $0x0  }
.Ltmp0:
0x3d: {  	s25 =	sadd.s32 $0x2800, s25;
	[sflag:s18] =	ssyncadd.s32 $0xFFFFD800;
	(pc) =	sbr.rel @p0 .LBB2_2-.Ltmp0, $4  }
0x3e: {  	[spmem:s2] =	stream.indirect.scatter.add.f32 [tilespmem:s16], [sflag:$0x3], $0x80, s25, s14, $0xb8;
	[tilespmem:$0x1F380] =	vst v63  }
0x3f: {  	_ =	swait.ge [sflag:s10], $0x2800  }
0x40: {  	[sflag:s10] =	ssyncset.done $0x0  }
0x41: {  	s25 =	sadd.s32 $0x50, s23;
	s23 =	sadd.s32 $0xA0, s23;
	[sflag:s10] =	ssyncadd.s32 $0xFFFFD800  }
0x42: {  	[tilespmem:s16], [sflag:$0x2] =	stream.indirect.gather [hbm4b:s4+s14], $0x80, s25, s14, $0xb8;
	[tilespmem:$0x1F380] =	vst v63  }
0x43: {  	_ =	swait.ge [sflag:s17], $0x2800  }
0x44: {  	[sflag:s17] =	ssyncset.done $0x0  }
0x45: {  	[sflag:s17] =	ssyncadd.s32 $0xFFFFD800  }
0x46: {  	[spmem:s2] =	stream.indirect.scatter.add.f32 [tilespmem:s15], [sflag:$0x3], $0x80, s19, s14, $0xb8;
	[tilespmem:$0x1F380] =	vst v63  }
0x47: {  	_ =	swait.ge [sflag:s10], $0x2800  }
0x48: {  	[sflag:s10] =	ssyncset.done $0x0  }
0x49: {  	[sflag:s10] =	ssyncadd.s32 $0xFFFFD800  }
0x4a: {  	[tilespmem:s15], [sflag:$0x1] =	stream.indirect.gather [hbm4b:s4+s14], $0x80, s23, s14, $0xb8;
	[tilespmem:$0x1F380] =	vst v63  }
0x4b: {  	_ =	swait.ge [sflag:s18], $0x2800  }
0x4c: {  	[sflag:s18] =	ssyncset.done $0x0  }
0x4d: {  	[sflag:s18] =	ssyncadd.s32 $0xFFFFD800  }
0x4e: {  	[spmem:s2] =	stream.indirect.scatter.add.f32 [tilespmem:s16], [sflag:$0x3], $0x80, s20, s14, $0xb8;
	[tilespmem:$0x1F380] =	vst v63  }
0x4f: {  	_ =	swait.ge [sflag:s10], $0x2800  }
0x50: {  	[sflag:s10] =	ssyncset.done $0x0  }
0x51: {  	[sflag:s10] =	ssyncadd.s32 $0xFFFFD800  }
0x52: {  	_ =	swait.ge [sflag:s17], $0x2800  }
0x53: {  	[sflag:s17] =	ssyncset.done $0x0  }
0x54: {  	[sflag:s17] =	ssyncadd.s32 $0xFFFFD800  }
0x55: {  	[spmem:s2] =	stream.indirect.scatter.add.f32 [tilespmem:s15], [sflag:$0x3], $0x80, s21, s14, $0xb8;
	[tilespmem:$0x1F380] =	vst v63  }
0x56: {  	_ =	swait.ge [sflag:s10], $0x2800  }
0x57: {  	s22 =	sadd.s32 $0x1, s22;
	[sflag:s10] =	ssyncset.done $0x0  }
0x58: {  	p0 =	sne.s32 s22, s9;
	[sflag:s10] =	ssyncadd.s32 $0xFFFFD800  }
.Ltmp1:
0x59: {  	[bflag:$0x0] =	sbarrier.arrive $0xFFFF;
	(pc) =	sbr.rel @p0 .LBB2_1-.Ltmp1, $4  }
0x5a: {  	[hbm:s8], [sflag:s12] =	dma.local [spmem:s13], $0x2780  }
0x5b: {  	_ =	swait.ge [sflag:s10], $0x2780  }
0x5c: {  	[sflag:s10] =	ssyncset.done $0x0  }
0x5d: {  	[sflag:s10] =	ssyncadd.s32 $0xFFFFD880  }
0x5e: {  	_ =	sfence.sel $0x180000  }
0x5f: {  	[bflag:$0x0] =	sbarrier.arrive $0xFFFF  }
0x60: {  	p0 =	sne.s32 s0, $0x0;
	_ =	strace $0x9000004D  }
0x61: {  	s0 =	sadd.s32 @!p0 $0x100000, s1;
	[bflag:$0x2] =	sbarrier.arrive $0xFFFF  }
0x62: {  	[sflag:s0] =	ssyncadd.tile.s32 @!p0 $0x1;
	_ =	shalt  }
.Lfunc_end2:
_tile_overlayer_lowered:
.L_overlay_start_2:
0x63: {  	(tag) =	ssettag $0x2  }
0x64: {  	s0 =	rddreg [dreg:$0x0];
	s2 =	stileid.u32  }
0x65: {  	s1 =	rddreg [dreg:$0x1];
	p0 =	sne.s32 s2, $0x0  }
0x66: {  	s3 =	rddreg [dreg:$0x2];
	[bflag:$0x3] =	sbarrier.arrive $0xFFFF;
	s2 =	simm.s32 @!p0 $0x1C03  }
0x67: {  	[timem:s3], [sflag:s2] =	dma.local @!p0 [hbm:s0], s1  }
0x68: {  	s0 =	simm.s32 @!p0 $0x3  }
0x69: {  	_ =	swait.ge @!p0 [sflag:s0], s1  }
0x6a: {  	s1 =	ssub.s32 @!p0 $0x0, s1;
	[sflag:s0] =	ssyncset.done @!p0 $0x0  }
0x6b: {  	[sflag:s0] =	ssyncadd.s32 @!p0 s1  }
0x6c: {  	[bflag:$0x3] =	sbarrier.arrive $0xFFFF  }
0x6d: {  	_ =	shalt  }

// kernel: kernel.8.cloned.1.call-start
scs
__scs_entry_jumppad:
0x0: {  	(pc) =	sbr.rel $0x88, $3  }
0x1: {  	(tag) =	ssettag $0x0;
	lr =	simm.s32 $0x1  }
0x2: {  	[smem:$0x3F9B] =	sst lr;
	_ =	strace $0xD0000000  }
0x3: {  	_ = 	snop  }
0x4: {  	_ = 	snop  }
0x5: {  	_ = 	snop  }
0x6: {  	_ = 	snop  }
0x7: {  	_ = 	snop  }
__scs_overlays_trampoline_lowered:
0x8: {  	[smem:$0x3FAA] =	sst s0  }
0x9: {  	[smem:$0x3FAB] =	sst s1  }
0xa: {  	[smem:$0x3FAC] =	sst s2  }
0xb: {  	[smem:$0x3FAD] =	sst s3  }
0xc: {  	[smem:$0x3FAE] =	sst s4  }
0xd: {  	[smem:$0x3FAF] =	sst s5  }
0xe: {  	[smem:$0x3FB0] =	sst s6  }
0xf: {  	[smem:$0x3FB1] =	sst s7  }
0x10: {  	[smem:$0x3FB2] =	sst s8  }
0x11: {  	[smem:$0x3FB3] =	sst s9;
	s0 =	simm.s32 @!p0 $0x0  }
0x12: {  	s1 =	sld [smem:$0x3F99];
	s0 =	simm.s32 @p0 $0x1  }
0x13: {  	[smem:$0x3FB4] =	sst s0;
	s0 =	simm.s32 @!p1 $0x0  }
0x14: {  	s2 =	sld [smem:$0x3F98];
	s0 =	simm.s32 @p1 $0x1  }
0x15: {  	[smem:$0x3FB5] =	sst s0;
	s0 =	simm.s32 @!p2 $0x0  }
0x16: {  	s3 =	sld [smem:$0x3FDB];
	s0 =	simm.s32 @p2 $0x1  }
0x17: {  	s4 =	simm.s32 $0x1BF5;
	[smem:$0x3FB7] =	sst s0  }
0x18: {  	s0 =	sld [smem:$0x3F9A];
	_ =	swait.ge [sflag:s4], $0x0  }
0x19: {  	s7 =	sld [smem:$0x3F9B]  }
0x1a: {  	s8 =	sadd.s32 $0xFFFFE003, lr  }
0x1b: {  	s9 =	sadd.s32 $0xFFFFFEF7, lr;
	s5 =	simm.s32 $0xFFFFFFFF;
	p2 =	slt.u32 s8, $0xFFFFF086  }
0x1c: {  	p1 =	slt.u32 s9, $0xF7A;
	s5 =	simm.s32 @!p2 $0x0  }
0x1d: {  	s5 =	simm.s32 @p1 $0x1;
	p0 =	seq.s32 s7, s2  }
0x1e: {  	s7 =	smul.u32 @!p0 $0xF7A, s2;
	p2 =	seq.s32 @!p0 s5, $0x0  }
0x1f: {  	s9 =	smul.u32 $0xF7A, s1;
	s8 =	simm.s32 @!p0 $0x1BF5;
	p2 =	por !p2, p0  }
0x20: {  	[sflag:s8] =	ssyncset.s32 @!p0 $0xFFFFF086;
	s6 =	sadd.s32 @!p0 s3, s7;
	s7 =	simm.s32 @!p0 $0x108  }
0x21: {  	s3 =	sadd.s32 s3, s9;
	s6 =	sadd.s32 @!p0 $0x88, s6;
	s7 =	simm.s32 @p2 $0x1082  }
0x22: {  	[simem:s7], [sflag:s8] =	dma.local @!p0 [hbm:s6], $0xF7A  }
0x23: {  	s9 =	sor.u32 $0xD0000000, s2;
	s6 =	simm.s32 $0x108;
	_ =	swait.ge @!p0 [sflag:s8], $0x0  }
0x24: {  	s3 =	sadd.s32 $0x88, s3;
	s6 =	simm.s32 @!p1 $0x1082;
	[sflag:s4] =	ssyncset.s32 $0xFFFFF086  }
0x25: {  	[simem:s6], [sflag:s4] =	dma.local [hbm:s3], $0xF7A  }
0x26: {  	[smem:$0x3F9B] =	sst s1;
	(tag) =	ssettag s2;
	_ =	strace s9  }
0x27: {  	s1 =	sld [smem:$0x3FAB]  }
0x28: {  	s2 =	sld [smem:$0x3FAC]  }
0x29: {  	s4 =	sld [smem:$0x3FAE]  }
0x2a: {  	p0 =	seq.s32 s5, $0x0;
	s5 =	sld [smem:$0x3FAF]  }
0x2b: {  	s6 =	sld [smem:$0x3FB0]  }
0x2c: {  	s7 =	sld [smem:$0x3FB1]  }
0x2d: {  	s3 =	simm.s32 $0x108;
	s8 =	sld [smem:$0x3FB2]  }
0x2e: {  	s3 =	simm.s32 @!p0 $0x1082;
	s9 =	sld [smem:$0x3FB3]  }
0x2f: {  	lr =	sadd.s32 s0, s3;
	s0 =	sld [smem:$0x3FAA]  }
0x30: {  	s3 =	sld [smem:$0x3FAD]  }
0x31: {  	[smem:$0x3FB6] =	sst s10  }
0x32: {  	s10 =	sld [smem:$0x3FB4];
	_ =	sdelay $0x3  }
0x33: {  	p0 =	seq.s32 s10, $0x1;
	s10 =	sld [smem:$0x3FB6];
	_ =	sdelay $0x3  }
0x34: {  	[smem:$0x3FB6] =	sst s10  }
0x35: {  	s10 =	sld [smem:$0x3FB5];
	_ =	sdelay $0x3  }
0x36: {  	p1 =	seq.s32 s10, $0x1;
	s10 =	sld [smem:$0x3FB6];
	_ =	sdelay $0x3  }
0x37: {  	[smem:$0x3FB6] =	sst s10  }
0x38: {  	s10 =	sld [smem:$0x3FB7]  }
0x39: {  	_ = 	snop;
	(pc) =	sbr.ind lr, $3  }
0x3a: {  	_ = 	snop  }
0x3b: {  	_ = 	snop  }
0x3c: {  	p2 =	seq.s32 s10, $0x1;
	s10 =	sld [smem:$0x3FB6]  }
0x3d: {  	_ =	shalt  }
0x3e: {  	_ =	shalt  }
0x3f: {  	_ =	shalt  }
0x40: {  	_ =	shalt  }
0x41: {  	_ =	shalt  }
0x42: {  	_ =	shalt  }
0x43: {  	_ =	shalt  }
0x44: {  	_ =	shalt  }
0x45: {  	_ =	shalt  }
0x46: {  	_ =	shalt  }
0x47: {  	_ =	shalt  }
0x48: {  	_ =	shalt  }
0x49: {  	_ =	shalt  }
0x4a: {  	_ =	shalt  }
0x4b: {  	_ =	shalt  }
0x4c: {  	_ =	shalt  }
0x4d: {  	_ =	shalt  }
0x4e: {  	_ =	shalt  }
0x4f: {  	_ =	shalt  }
0x50: {  	_ =	shalt  }
0x51: {  	_ =	shalt  }
0x52: {  	_ =	shalt  }
0x53: {  	_ =	shalt  }
0x54: {  	_ =	shalt  }
0x55: {  	_ =	shalt  }
0x56: {  	_ =	shalt  }
0x57: {  	_ =	shalt  }
0x58: {  	_ =	shalt  }
0x59: {  	_ =	shalt  }
0x5a: {  	_ =	shalt  }
0x5b: {  	_ =	shalt  }
0x5c: {  	_ =	shalt  }
0x5d: {  	_ =	shalt  }
0x5e: {  	_ =	shalt  }
0x5f: {  	_ =	shalt  }
0x60: {  	_ =	shalt  }
0x61: {  	_ =	shalt  }
0x62: {  	_ =	shalt  }
0x63: {  	_ =	shalt  }
0x64: {  	_ =	shalt  }
0x65: {  	_ =	shalt  }
0x66: {  	_ =	shalt  }
0x67: {  	_ =	shalt  }
0x68: {  	_ =	shalt  }
0x69: {  	_ =	shalt  }
0x6a: {  	_ =	shalt  }
0x6b: {  	_ =	shalt  }
0x6c: {  	_ =	shalt  }
0x6d: {  	_ =	shalt  }
0x6e: {  	_ =	shalt  }
0x6f: {  	_ =	shalt  }
0x70: {  	_ =	shalt  }
0x71: {  	_ =	shalt  }
0x72: {  	_ =	shalt  }
0x73: {  	_ =	shalt  }
0x74: {  	_ =	shalt  }
0x75: {  	_ =	shalt  }
0x76: {  	_ =	shalt  }
0x77: {  	_ =	shalt  }
0x78: {  	_ =	shalt  }
0x79: {  	_ =	shalt  }
0x7a: {  	_ =	shalt  }
0x7b: {  	_ =	shalt  }
0x7c: {  	_ =	shalt  }
0x7d: {  	_ =	shalt  }
0x7e: {  	_ =	shalt  }
0x7f: {  	_ =	shalt  }
0x80: {  	_ =	shalt  }
0x81: {  	_ =	shalt  }
0x82: {  	_ =	shalt  }
0x83: {  	_ =	shalt  }
0x84: {  	_ =	shalt  }
0x85: {  	_ =	shalt  }
0x86: {  	_ =	shalt  }
0x87: {  	_ =	shalt  }
.Lfunc_end0:
.L_simem_size_0:
called_computation_lowered:
.L_overlay_start_0:
0x88: {  	s2 =	sld [smem:$0x3FD9]  }
0x89: {  	s3 =	sld [smem:$0x3FFE];
	_ =	sdelay $0x1  }
0x8a: {  	s1 =	srdreg.scid  }
0x8b: {  	s0 =	sand.u32 $0x1, s1  }
0x8c: {  	s17 =	sshll.u32 s0, $0xA;
	s2 =	sadd.s32 s3, s2  }
0x8d: {  	s2 =	sadd.s32 s2, s17  }
0x8e: {  	[smem:$0x3FC2] =	sst s2  }
0x8f: {  	_ = 	snop  }
0x90: {  	s2 =	sld [smem:$0x3FD0];
	(tm) =	ssettm $0x1  }
0x91: {  	s18 =	sld [smem:$0x3FFB];
	_ =	sdelay $0x3  }
0x92: {  	_ =	strace s18  }
0x93: {  	s3 =	sld [smem:$0x3FFC];
	_ =	sdelay $0x3  }
0x94: {  	_ =	strace s3  }
0x95: {  	s3 =	sld [smem:$0x3FFD];
	_ =	sdelay $0x3  }
0x96: {  	_ =	strace s3  }
0x97: {  	_ =	strace $0x8FFFFFFF  }
0x98: {  	s19 =	sld [smem:$0x3FDB];
	_ =	sdelay $0x1  }
0x99: {  	s4 =	simm.s32 $_scs_section_size  }
0x9a: {  	s5 =	simm.s32 $_size__tile_overlayer_lowered;
	s6 =	simm.s32 $_tile_overlayer_lowered  }
0x9b: {  	s22 =	simm.s32 $0x1BFF;
	s21 =	sshll.u32 s6, $0x1;
	s3 =	sadd.s32 s4, s19  }
0x9c: {  	s7 =	simm.s32 $0x0;
	s20 =	sshll.u32 s5, $0x1;
	s5 =	sadd.s32 s21, s3  }
0x9d: {  	[timem:s7], [sflag:s22] =	dma.local [hbm:s5], s20  }
0x9e: {  	_ =	swait.ge [sflag:s22], s20  }
0x9f: {  	s4 =	ssub.s32 $0x0, s20;
	[sflag:s22] =	ssyncset.done $0x0  }
0xa0: {  	[sflag:s22] =	ssyncadd.s32 s4;
	_ =	sdelay $0x1  }
0xa1: {  	s23 =	simm.s32 $0x1B8B  }
0xa2: {  	_ =	swait.ge [sflag:s23], $0x1  }
0xa3: {  	[sflag:s23] =	ssyncset.done $0x0  }
0xa4: {  	s25 =	simm.s32 $0x1B8E;
	s24 =	sld [smem:$0x3FFE];
	[sflag:s23] =	ssyncadd.s32 $0xFFFFFFFF  }
0xa5: {  	s26 =	simm.s32 $execute0_lowered;
	[smem:$0x3FD2] =	sst s25  }
0xa6: {  	s5 =	sshll.u32 s26, $0x1;
	_ =	strace $0x80000046;
	[dreg:$0x1] =	wrdreg $0xFFFFFFFF  }
0xa7: {  	s28 =	simm.s32 $_size_execute0_lowered;
	s3 =	sadd.s32 s3, s5;
	[dreg:$0x0] =	wrdreg $0x0  }
0xa8: {  	s5 =	sshll.u32 s28, $0x1;
	[dreg:$0x2] =	wrdreg s3  }
0xa9: {  	[dreg:$0x3] =	wrdreg s5  }
0xaa: {  	[dreg:$0x4] =	wrdreg $0xC0  }
0xab: {  	_ =	task [dreg:s7], $0x5FFFF  }
0xac: {  	[dreg:$0x1] =	wrdreg $0xFFFFFFFF  }
0xad: {  	[dreg:$0x0] =	wrdreg $0x60  }
0xae: {  	[dreg:$0x2] =	wrdreg s2  }
0xaf: {  	[dreg:$0x3] =	wrdreg s24  }
0xb0: {  	[dreg:$0x4] =	wrdreg $0x68000  }
0xb1: {  	[dreg:$0x5] =	wrdreg $0x9  }
0xb2: {  	_ =	task.clear_ibuf [dreg:s7], $0x6FFFF;
	_ =	strace $0x90000046  }
0xb3: {  	s29 =	simm.s32 $0x9;
	_ =	strace $0x80000048  }
0xb4: {  	_ =	swait.ge [sflag:s29], $0x1  }
0xb5: {  	[sflag:s29] =	ssyncadd.s32 $0xFFFFFFFF  }
0xb6: {  	_ =	strace $0x90000048  }
0xb7: {  	_ =	sfence  }
0xb8: {  	s30 =	sld [smem:$0x0];
	_ =	sdelay $0x2  }
0xb9: {  	s31 =	sshll.u32 s1, $0xD;
	s1 =	sshrl.u32 s1, $0x2  }
0xba: {  	s3 =	sand.u32 $0x4000, s31;
	s1 =	sadd.s32 s1, s30  }
0xbb: {  	s0 =	sor.u32 s3, s0;
	s1 =	sshll.u32 s1, $0x11  }
0xbc: {  	s0 =	sor.u32 s1, s0  }
0xbd: {  	s0 =	sadd.s32 $0x8F2B, s0  }
0xbe: {  	[sflag:s0] =	ssyncadd.remote.s32 $0x1  }
0xbf: {  	_ =	sfence.sel $0xFFFF  }
0xc0: {  	[dreg:$0x0] =	wrdreg $0xFFFFFFFF;
	(pc) =	sbr.abs _section_cstart, $3  }
0xc1: {  	[dreg:$0x1] =	wrdreg $0xFFFFFFFF  }
0xc2: {  	_ =	task.clear_ibuf [dreg:s7], $0x2FFFF;
	_ =	strace $0x9FFFFFFF  }
0xc3: {  	(tm) =	ssettm $0x7FFFFFFF  }
tec
execute0_lowered:
.L_overlay_start_1:
0x0: {  	(tag) =	ssettag $0x1  }
0x1: {  	s5 =	rddreg [dreg:$0x0]  }
0x2: {  	s6 =	rddreg [dreg:$0x1]  }
0x3: {  	s2 =	rddreg [dreg:$0x2]  }
0x4: {  	s0 =	rddreg [dreg:$0x3];
	s1 =	stileid.u32  }
0x5: {  	s4 =	srdreg.scid;
	s3 =	simm.s32 $0x0;
	s13 =	simm.s32 $0x50  }
0x6: {  	s14 =	simm.s32 $0x0;
	s7 =	smul.u32 $0x13C00, s1;
	s8 =	sand.u32 $0x1, s4  }
0x7: {  	[smem:$0x7FF] =	sst s3;
	s4 =	sadd.s32 $0xBA00, s6;
	s12 =	smul.u32 $0x4F000, s1  }
0x8: {  	s29 =	sshll.u32 s1, $0xB;
	s31 =	sshll.u32 s1, $0x6;
	s9 =	smul.u32 $0x13C000, s8  }
0x9: {  	_ =	strace $0x80000047;
	s28 =	ssub.s32 $0x2, s8;
	s8 =	sshll.u32 s8, $0xF  }
0xa: {  	s5 =	sadd.s32 s5, s29;
	s10 =	sshrl.u32 s7, $0x3;
	s11 =	sshrl.u32 s28, $0x1  }
0xb: {  	s30 =	sshrl.u32 s12, $0x2;
	s5 =	sadd.s32 s8, s5;
	s10 =	sadd.s32 s10, s6  }
0xc: {  	s7 =	sadd.s32 s7, s9;
	s9 =	ssub.s32 s28, s11;
	s12 =	sadd.s32 s30, s2  }
0xd: {  	s11 =	sor.u32 $0x1C01, s31;
	s7 =	sshrl.u32 s7, $0x3;
	s8 =	smax.u32 s9, $0x1  }
0xe: {  	s9 =	simm.s32 $0x1;
	s12 =	sshrl.u32 s12, $0x3;
	s7 =	sadd.s32 s7, s6  }
0xf: {  	s6 =	sadd.s32 $0xC000, s10;
	s10 =	simm.s32 $0x4000;
	s7 =	sadd.s32 $0x33800, s7  }
.LBB2_1:
0x10: {  	[tilespmem:s3], [sflag:$0x1] =	stream.linear.gather [hbm4b:s5+s3], $0x3E80, $0x38;
	[tilespmem:$0x1A400] =	vst v63  }
0x11: {  	_ =	swait.ge [sflag:s9], $0x3E80  }
0x12: {  	[sflag:s9] =	ssyncset.done $0x0  }
0x13: {  	[sflag:s9] =	ssyncadd.s32 $0xFFFFC180  }
0x14: {  	[tilespmem:s10], [sflag:$0x1] =	stream.linear.gather [hbm4b:s4+s3], $0x2800, $0x38;
	[tilespmem:$0x1A400] =	vst v63  }
0x15: {  	_ =	swait.ge [sflag:s9], $0x2800  }
0x16: {  	[sflag:s9] =	ssyncset.done $0x0  }
0x17: {  	[sflag:s9] =	ssyncadd.s32 $0xFFFFD800  }
0x18: {  	[spmem:s12], [sflag:s11] =	dma.local [hbm:s6], $0x2780  }
0x19: {  	_ =	swait.ge [sflag:s9], $0x2780  }
0x1a: {  	[sflag:s9] =	ssyncset.done $0x0  }
0x1b: {  	[sflag:s9] =	ssyncadd.s32 $0xFFFFD880  }
0x1c: {  	s15 =	simm.s32 $0x0;
	[bflag:$0x0] =	sbarrier.arrive $0xFFFF  }
0x1d: {  	[spmem:s2] =	stream.indirect.scatter.add.f32 [tilespmem:s10], [sflag:$0x1], $0x80, s15, s13, $0xb8;
	[tilespmem:$0x1A400] =	vst v63  }
0x1e: {  	_ =	swait.ge [sflag:s9], $0x2800  }
0x1f: {  	s15 =	simm.s32 $0x200;
	[sflag:s9] =	ssyncset.done $0x0  }
.LBB2_2:
0x20: {  	s16 =	sshra.s32 s15, $0x2;
	[sflag:s9] =	ssyncadd.s32 $0xFFFFD800;
	p0 =	sne.s32 s15, $0xF800  }
0x21: {  	[spmem:s2] =	stream.indirect.scatter.add.f32 [tilespmem:s10], [sflag:$0x1], $0x80, s16, s13, $0xb8;
	[tilespmem:$0x1A400] =	vst v63  }
.Ltmp0:
0x22: {  	_ = 	snop;
	(pc) =	sbr.rel @p0 .LBB2_2-.Ltmp0, $4  }
0x23: {  	_ = 	snop  }
0x24: {  	s15 =	sadd.s32 $0x200, s15  }
0x25: {  	_ =	swait.ge [sflag:s9], $0x2800  }
0x26: {  	[sflag:s9] =	ssyncset.done $0x0  }
0x27: {  	s14 =	sadd.s32 $0x1, s14  }
0x28: {  	[sflag:s9] =	ssyncadd.s32 $0xFFFFD800;
	p0 =	sne.s32 s14, s8  }
.Ltmp1:
0x29: {  	[bflag:$0x0] =	sbarrier.arrive $0xFFFF;
	(pc) =	sbr.rel @p0 .LBB2_1-.Ltmp1, $4  }
0x2a: {  	[hbm:s7], [sflag:s11] =	dma.local [spmem:s12], $0x2780  }
0x2b: {  	_ =	swait.ge [sflag:s9], $0x2780  }
0x2c: {  	[sflag:s9] =	ssyncset.done $0x0  }
0x2d: {  	[sflag:s9] =	ssyncadd.s32 $0xFFFFD880  }
0x2e: {  	_ =	sfence.sel $0x180000  }
0x2f: {  	[bflag:$0x0] =	sbarrier.arrive $0xFFFF  }
0x30: {  	p0 =	sne.s32 s1, $0x0;
	_ =	strace $0x90000047  }
0x31: {  	s0 =	sadd.s32 @!p0 $0x100000, s0;
	[bflag:$0x2] =	sbarrier.arrive $0xFFFF  }
0x32: {  	[sflag:s0] =	ssyncadd.tile.s32 @!p0 $0x1;
	_ =	shalt  }
.Lfunc_end2:
_tile_overlayer_lowered:
.L_overlay_start_2:
0x33: {  	(tag) =	ssettag $0x2  }
0x34: {  	s0 =	rddreg [dreg:$0x0];
	s2 =	stileid.u32  }
0x35: {  	s1 =	rddreg [dreg:$0x1];
	p0 =	sne.s32 s2, $0x0  }
0x36: {  	s3 =	rddreg [dreg:$0x2];
	[bflag:$0x3] =	sbarrier.arrive $0xFFFF;
	s2 =	simm.s32 @!p0 $0x1C01  }
0x37: {  	[timem:s3], [sflag:s2] =	dma.local @!p0 [hbm:s0], s1  }
0x38: {  	s0 =	simm.s32 @!p0 $0x1  }
0x39: {  	_ =	swait.ge @!p0 [sflag:s0], s1  }
0x3a: {  	s1 =	ssub.s32 @!p0 $0x0, s1;
	[sflag:s0] =	ssyncset.done @!p0 $0x0  }
0x3b: {  	[sflag:s0] =	ssyncadd.s32 @!p0 s1  }
0x3c: {  	[bflag:$0x3] =	sbarrier.arrive $0xFFFF  }
0x3d: {  	_ =	shalt  }

</sc_bundles>
